<compile_context>
chip_gen: v7x
topology: tpu7x:2x2x1
jax: 0.10.2.dev20260603
libtpu: 0.0.44.dev20260713+nightly
codegen_flags: <defaults>
</compile_context>

<pallas_src>
import functools

import jax
import jax.numpy as jnp
from jax import lax
from jax.experimental import pallas as pl
from jax.experimental.pallas import tpu as pltpu
from jax.experimental.pallas import tpu_sc as plsc

N_NODES = 10000
N_PAD = 10240
D_HID = 64
NC = 2
NS = 16
NW = NC * NS
CHUNK = 128
NBUF = 3
ROWS_PER_W = N_PAD // NS

_mesh = plsc.VectorSubcoreMesh(core_axis_name="c", subcore_axis_name="s")
_sc_params = pltpu.CompilerParams(use_tc_tiling_on_sc=False)


def _make_deg_kernel(nit, w_split):
    @functools.partial(
        pl.kernel,
        out_type=jax.ShapeDtypeStruct((NC, N_PAD), jnp.float32),
        mesh=_mesh,
        compiler_params=_sc_params,
        scratch_types=[
            pltpu.VMEM((nit, 2, CHUNK), jnp.int32),
            pltpu.VMEM((CHUNK,), jnp.float32),
            pltpu.VMEM_SHARED((N_PAD,), jnp.float32),
        ],
    )
    def deg_k(ei_hbm, tail_hbm, zeros_hbm, ones_hbm, out_hbm,
              idx_v, ones_v, acc_s):
        cid = lax.axis_index("c")
        sid = lax.axis_index("s")
        wid = sid * NC + cid
        row0 = sid * ROWS_PER_W

        @pl.when(wid < w_split)
        def _():
            pltpu.sync_copy(ei_hbm.at[pl.ds(wid * nit, nit)], idx_v)

        @pl.when(wid >= w_split)
        def _():
            pltpu.sync_copy(tail_hbm.at[pl.ds((wid - w_split) * nit, nit)],
                            idx_v)
        pltpu.sync_copy(ones_hbm, ones_v)
        pltpu.sync_copy(zeros_hbm, acc_s.at[pl.ds(row0, ROWS_PER_W)])
        plsc.subcore_barrier()

        def body(i, carry):
            pltpu.sync_copy(ones_v, acc_s.at[idx_v.at[i, 1]], add=True)
            return carry

        lax.fori_loop(0, nit, body, 0)
        plsc.subcore_barrier()
        pltpu.sync_copy(acc_s.at[pl.ds(row0, ROWS_PER_W)],
                        out_hbm.at[cid, pl.ds(row0, ROWS_PER_W)])

    return deg_k


def _make_mp_kernel(nit, w_split):
    @functools.partial(
        pl.kernel,
        out_type=jax.ShapeDtypeStruct((NC, N_PAD, D_HID), jnp.float32),
        mesh=_mesh,
        compiler_params=_sc_params,
        scratch_types=[
            pltpu.VMEM((nit, 2, CHUNK), jnp.int32),
            pltpu.VMEM((NBUF, CHUNK, D_HID), jnp.float32),
            pltpu.VMEM_SHARED((N_PAD, D_HID), jnp.float32),
            pltpu.VMEM_SHARED((N_PAD, D_HID), jnp.float32),
            pltpu.SemaphoreType.DMA,
            pltpu.SemaphoreType.DMA,
            pltpu.SemaphoreType.DMA,
        ],
    )
    def mp_k(g_hbm, ei_hbm, tail_hbm, zeros_hbm, out_hbm,
             idx_v, rows, g_s, acc_s, sem0, sem1, sem2):
        sems = (sem0, sem1, sem2)
        cid = lax.axis_index("c")
        sid = lax.axis_index("s")
        wid = sid * NC + cid
        row0 = sid * ROWS_PER_W

        cg = pltpu.async_copy(g_hbm.at[pl.ds(row0, ROWS_PER_W)],
                              g_s.at[pl.ds(row0, ROWS_PER_W)], sem1)
        cz = pltpu.async_copy(zeros_hbm, acc_s.at[pl.ds(row0, ROWS_PER_W)],
                              sem2)

        @pl.when(wid < w_split)
        def _():
            pltpu.async_copy(ei_hbm.at[pl.ds(wid * nit, nit)], idx_v,
                             sem0).wait()

        @pl.when(wid >= w_split)
        def _():
            pltpu.async_copy(tail_hbm.at[pl.ds((wid - w_split) * nit, nit)],
                             idx_v, sem0).wait()

        cg.wait()
        cz.wait()
        plsc.subcore_barrier()

        def issue(slot, c):
            pltpu.async_copy(g_s.at[idx_v.at[c, 0]], rows.at[slot],
                             sems[slot])

        def wait(slot):
            pltpu.make_async_copy(g_s.at[idx_v.at[0, 0]], rows.at[slot],
                                  sems[slot]).wait()

        for j in range(NBUF - 1):
            issue(j, j)

        def step(p, carry):
            c0 = p * NBUF
            for j in range(NBUF):
                c = c0 + j
                cn = c + NBUF - 1

                @pl.when(cn < nit)
                def _():
                    issue((j + NBUF - 1) % NBUF, cn)

                wait(j)
                pltpu.sync_copy(rows.at[j], acc_s.at[idx_v.at[c, 1]],
                                add=True)
            return carry

        lax.fori_loop(0, nit // NBUF, step, 0)
        plsc.subcore_barrier()
        pltpu.sync_copy(acc_s.at[pl.ds(row0, ROWS_PER_W)],
                        out_hbm.at[cid, pl.ds(row0, ROWS_PER_W)])

    return mp_k


def _dmat(degp_ref, ones_ref):
    deg = degp_ref[0:1, :] + degp_ref[1:2, :]
    dinv = jnp.where(deg > 0.0, lax.rsqrt(deg), 0.0)
    return lax.dot_general(dinv, ones_ref[...], (((0,), (0,)), ((), ())),
                           preferred_element_type=jnp.float32)


def _tc1_body(degp_ref, x_ref, w1_ref, ones_ref, g1_ref):
    n = x_ref.shape[0]
    dmat = _dmat(degp_ref, ones_ref)
    g1_ref[0:n] = jnp.dot(x_ref[...], w1_ref[...],
                          preferred_element_type=jnp.float32) * dmat[0:n]
    g1_ref[n:] = jnp.zeros((N_PAD - n, D_HID), jnp.float32)


def _tc2_body(sp_ref, degp_ref, ones_ref, b_ref, w2_ref, g2_ref):
    dmat = _dmat(degp_ref, ones_ref)
    s = sp_ref[0] + sp_ref[1]
    h = jnp.maximum(s * dmat + b_ref[...], 0.0)
    g2_ref[...] = jnp.dot(h, w2_ref[...],
                          preferred_element_type=jnp.float32) * dmat


def _tc3_body(sp_ref, degp_ref, ones_ref, b_ref, wfc_ref, bfc_ref, q_ref):
    dmat = _dmat(degp_ref, ones_ref)
    s = sp_ref[0] + sp_ref[1]
    h = jnp.maximum(s * dmat + b_ref[...], 0.0)
    q_ref[...] = jnp.dot(h, wfc_ref[...],
                         preferred_element_type=jnp.float32) + bfc_ref[...]


def kernel(x, edge_index, W1, b1, W2, b2, Wfc, bfc):
    n = x.shape[0]
    e = edge_index.shape[1]
    n_cls = Wfc.shape[1]
    e_tot = e + n
    grp = NW * CHUNK * NBUF
    e_pad = -(-e_tot // grp) * grp
    nit = e_pad // (NW * CHUNK)

    epw = nit * CHUNK
    w_split = e // epw
    ei32 = edge_index.astype(jnp.int32)
    ei_packed = jnp.stack(
        [ei32[0].reshape(-1, CHUNK), ei32[1].reshape(-1, CHUNK)],
        axis=1)
    loop = jnp.arange(n, dtype=jnp.int32)
    padv = jnp.full((e_pad - e_tot,), n, dtype=jnp.int32)
    tail_src = jnp.concatenate([ei32[0, w_split * epw:], loop, padv])
    tail_dst = jnp.concatenate([ei32[1, w_split * epw:], loop, padv])
    tail_packed = jnp.stack(
        [tail_src.reshape(-1, CHUNK), tail_dst.reshape(-1, CHUNK)],
        axis=1)

    zeros1d = jnp.zeros((ROWS_PER_W,), jnp.float32)
    ones1d = jnp.ones((CHUNK,), jnp.float32)
    zeros2d = jnp.zeros((ROWS_PER_W, D_HID), jnp.float32)
    ones_row = jnp.ones((1, D_HID), jnp.float32)

    deg_k = _make_deg_kernel(nit, w_split)
    mp_k = _make_mp_kernel(nit, w_split)

    degp = deg_k(ei_packed, tail_packed, zeros1d, ones1d)

    g1 = pl.pallas_call(
        _tc1_body,
        out_shape=jax.ShapeDtypeStruct((N_PAD, D_HID), jnp.float32),
    )(degp, x, W1, ones_row)

    s1p = mp_k(g1, ei_packed, tail_packed, zeros2d)

    g2 = pl.pallas_call(
        _tc2_body,
        out_shape=jax.ShapeDtypeStruct((N_PAD, D_HID), jnp.float32),
    )(s1p, degp, ones_row, b1.reshape(1, D_HID), W2)

    s2p = mp_k(g2, ei_packed, tail_packed, zeros2d)

    q = pl.pallas_call(
        _tc3_body,
        out_shape=jax.ShapeDtypeStruct((N_PAD, n_cls), jnp.float32),
    )(s2p, degp, ones_row, b2.reshape(1, D_HID), Wfc, bfc.reshape(1, n_cls))

    return q[:n]

# --- scband reference (transcript-rebuilt; emitter-appended) ---
"""Pipeline reference for scband-cache-gnn-70970039599202 (READ-ONLY COPY).

The authoritative reference and input builder live on the scoring server;
editing this copy changes nothing except your own understanding.
"""

import jax, jax.numpy as jnp
import numpy as np

N_NODES = 10000
N_EDGES = 320000
D_FEAT = 128
D_HID = 64
N_CLS = 12


def setup_inputs(seed: int = 0) -> dict:
    key = jax.random.key(seed)
    ks = jax.random.split(key, 8)
    x = jax.random.normal(ks[0], (N_NODES, D_FEAT), dtype=jnp.float32)
    edge_index = jax.random.randint(ks[1], (2, N_EDGES), 0, N_NODES, dtype=jnp.int64)
    # GCNConv weights (PyG: lin has no bias; bias added after aggregation)
    W1 = jax.random.normal(ks[2], (D_FEAT, D_HID), dtype=jnp.float32) * (1.0 / np.sqrt(D_FEAT))
    b1 = jnp.zeros((D_HID,), dtype=jnp.float32)
    W2 = jax.random.normal(ks[3], (D_HID, D_HID), dtype=jnp.float32) * (1.0 / np.sqrt(D_HID))
    b2 = jnp.zeros((D_HID,), dtype=jnp.float32)
    Wfc = jax.random.normal(ks[4], (D_HID, N_CLS), dtype=jnp.float32) * (1.0 / np.sqrt(D_HID))
    bfc = jnp.zeros((N_CLS,), dtype=jnp.float32)
    return {"x": x, "edge_index": edge_index, "W1": W1, "b1": b1, "W2": W2, "b2": b2, "Wfc": Wfc, "bfc": bfc}


def _gcn_conv(x, src, dst, norm, W, b, n_nodes):
    h = x @ W
    msg = h[src] * norm[:, None]
    out = jnp.zeros((n_nodes, h.shape[1]), dtype=h.dtype).at[dst].add(msg)
    return out + b


def reference(x, edge_index, W1, b1, W2, b2, Wfc, bfc):
    n_nodes = x.shape[0]
    # add self-loops (PyG default add_self_loops=True)
    loop = jnp.arange(n_nodes, dtype=edge_index.dtype)
    src = jnp.concatenate([edge_index[0], loop])
    dst = jnp.concatenate([edge_index[1], loop])
    # symmetric normalization: deg computed on dst after self-loops
    deg = jnp.zeros((n_nodes,), dtype=jnp.float32).at[dst].add(1.0)
    dinv = jnp.where(deg > 0, 1.0 / jnp.sqrt(deg), 0.0)
    norm = dinv[src] * dinv[dst]
    h = _gcn_conv(x, src, dst, norm, W1, b1, n_nodes)
    h = jax.nn.relu(h)
    h = _gcn_conv(h, src, dst, norm, W2, b2, n_nodes)
    h = jax.nn.relu(h)
    q_values = h @ Wfc + bfc
    return q_values

if __name__ == "__main__":
    import jax
    _d = setup_inputs()
    print(jax.jit(kernel)(*tuple(_d.values())))

</pallas_src>

<mosaic_0001>
#map = affine_map<(d0, d1) -> (0, 0, 0)>
#map1 = affine_map<(d0, d1) -> (0)>
#map2 = affine_map<(d0, d1) -> (0, 0)>
module attributes {stable_mosaic.version = 14 : i64} {
  func.func @deg_k(%arg0: i32, %arg1: i32, %arg2: memref<2500x2x128xi32, #tpu.memory_space<hbm>>, %arg3: memref<162x2x128xi32, #tpu.memory_space<hbm>>, %arg4: memref<640xf32, #tpu.memory_space<hbm>>, %arg5: memref<128xf32, #tpu.memory_space<hbm>>, %arg6: memref<2x10240xf32, #tpu.memory_space<hbm>>, %arg7: memref<81x2x128xi32, #tpu.memory_space<vmem>>, %arg8: memref<128xf32, #tpu.memory_space<vmem>>, %arg9: memref<10240xf32, #tpu.memory_space<vmem_shared>>) attributes {dimension_semantics = [#tpu.dimension_semantics<core_parallel>, #tpu.dimension_semantics<subcore_parallel>], iteration_bounds = array<i64: 2, 16>, scalar_prefetch = 0 : i64, scratch_operands = 3 : i64, tpu.core_type = #tpu.core_type<sc_vector_subcore>, window_params = [{transform_indices = #map}, {transform_indices = #map}, {transform_indices = #map1}, {transform_indices = #map1}, {transform_indices = #map2}]} {
    %mul3A = arith.constant 2 : i32
    %mul3A_0 = arith.muli %arg1, %mul3A : i32
    %add3A = arith.addi %mul3A_0, %arg0 : i32
    %mul3A_1 = arith.constant 640 : i32
    %mul3A_2 = arith.muli %arg1, %mul3A_1 : i32
    %lt3A = arith.constant 30 : i32
    %lt3A_3 = arith.cmpi slt, %add3A, %lt3A : i32
    %convert_element_type3A = arith.extui %lt3A_3 : i1 to i32
    %cond3A = arith.constant 0 : i32
    %cond3A_4 = arith.cmpi ne, %convert_element_type3A, %cond3A : i32
    scf.if %cond3A_4 {
      %mul3A_15 = arith.constant 81 : i32
      %mul3A_16 = arith.muli %add3A, %mul3A_15 : i32
      "tpu.region"() ({
        %run_scoped3A = tpu.sem_alloc : memref<!tpu.dma_semaphore, #tpu.memory_space<semaphore_mem>>
        %dma_start3A = arith.constant 0 : i32
        %dma_start3A_17 = arith.constant 0 : i32
        %dma_start3A_18 = tpu.memref_slice %arg2[%mul3A_16, %dma_start3A, %dma_start3A_17] : memref<2500x2x128xi32, #tpu.memory_space<hbm>> -> memref<81x2x128xi32, #tpu.memory_space<hbm>>
        %dma_start3A_19 = arith.constant 0 : i32
        %dma_start3A_20 = arith.constant 0 : i32
        %dma_start3A_21 = tpu.memref_slice %arg2[%mul3A_16, %dma_start3A_19, %dma_start3A_20] : memref<2500x2x128xi32, #tpu.memory_space<hbm>> -> memref<81x2x128xi32, #tpu.memory_space<hbm>>
        tpu.enqueue_dma source(%dma_start3A_21 : memref<81x2x128xi32, #tpu.memory_space<hbm>>) target(%arg7 : memref<81x2x128xi32, #tpu.memory_space<vmem>>) target_semaphore(%run_scoped3A : memref<!tpu.dma_semaphore, #tpu.memory_space<semaphore_mem>>)
        %dma_wait3A = arith.constant 0 : i32
        %dma_wait3A_22 = arith.constant 0 : i32
        %dma_wait3A_23 = tpu.memref_slice %arg2[%mul3A_16, %dma_wait3A, %dma_wait3A_22] : memref<2500x2x128xi32, #tpu.memory_space<hbm>> -> memref<81x2x128xi32, #tpu.memory_space<hbm>>
        %dma_wait3A_24 = arith.constant 0 : i32
        %dma_wait3A_25 = arith.constant 0 : i32
        %dma_wait3A_26 = tpu.memref_slice %arg2[%mul3A_16, %dma_wait3A_24, %dma_wait3A_25] : memref<2500x2x128xi32, #tpu.memory_space<hbm>> -> memref<81x2x128xi32, #tpu.memory_space<hbm>>
        tpu.wait_dma2 semaphore(%run_scoped3A : memref<!tpu.dma_semaphore, #tpu.memory_space<semaphore_mem>>) src(%dma_wait3A_26 : memref<81x2x128xi32, #tpu.memory_space<hbm>>) dst(%arg7 : memref<81x2x128xi32, #tpu.memory_space<vmem>>)
        tpu.yield
      }) : () -> ()
    } else {
    }
    %ge3A = arith.constant 30 : i32
    %ge3A_5 = arith.cmpi sge, %add3A, %ge3A : i32
    %convert_element_type3A_6 = arith.extui %ge3A_5 : i1 to i32
    %cond3A_7 = arith.constant 0 : i32
    %cond3A_8 = arith.cmpi ne, %convert_element_type3A_6, %cond3A_7 : i32
    scf.if %cond3A_8 {
      %sub3A = arith.constant 30 : i32
      %sub3A_15 = arith.subi %add3A, %sub3A : i32
      %mul3A_16 = arith.constant 81 : i32
      %mul3A_17 = arith.muli %sub3A_15, %mul3A_16 : i32
      "tpu.region"() ({
        %run_scoped3A = tpu.sem_alloc : memref<!tpu.dma_semaphore, #tpu.memory_space<semaphore_mem>>
        %dma_start3A = arith.constant 0 : i32
        %dma_start3A_18 = arith.constant 0 : i32
        %dma_start3A_19 = tpu.memref_slice %arg3[%mul3A_17, %dma_start3A, %dma_start3A_18] : memref<162x2x128xi32, #tpu.memory_space<hbm>> -> memref<81x2x128xi32, #tpu.memory_space<hbm>>
        %dma_start3A_20 = arith.constant 0 : i32
        %dma_start3A_21 = arith.constant 0 : i32
        %dma_start3A_22 = tpu.memref_slice %arg3[%mul3A_17, %dma_start3A_20, %dma_start3A_21] : memref<162x2x128xi32, #tpu.memory_space<hbm>> -> memref<81x2x128xi32, #tpu.memory_space<hbm>>
        tpu.enqueue_dma source(%dma_start3A_22 : memref<81x2x128xi32, #tpu.memory_space<hbm>>) target(%arg7 : memref<81x2x128xi32, #tpu.memory_space<vmem>>) target_semaphore(%run_scoped3A : memref<!tpu.dma_semaphore, #tpu.memory_space<semaphore_mem>>)
        %dma_wait3A = arith.constant 0 : i32
        %dma_wait3A_23 = arith.constant 0 : i32
        %dma_wait3A_24 = tpu.memref_slice %arg3[%mul3A_17, %dma_wait3A, %dma_wait3A_23] : memref<162x2x128xi32, #tpu.memory_space<hbm>> -> memref<81x2x128xi32, #tpu.memory_space<hbm>>
        %dma_wait3A_25 = arith.constant 0 : i32
        %dma_wait3A_26 = arith.constant 0 : i32
        %dma_wait3A_27 = tpu.memref_slice %arg3[%mul3A_17, %dma_wait3A_25, %dma_wait3A_26] : memref<162x2x128xi32, #tpu.memory_space<hbm>> -> memref<81x2x128xi32, #tpu.memory_space<hbm>>
        tpu.wait_dma2 semaphore(%run_scoped3A : memref<!tpu.dma_semaphore, #tpu.memory_space<semaphore_mem>>) src(%dma_wait3A_27 : memref<81x2x128xi32, #tpu.memory_space<hbm>>) dst(%arg7 : memref<81x2x128xi32, #tpu.memory_space<vmem>>)
        tpu.yield
      }) : () -> ()
    } else {
    }
    "tpu.region"() ({
      %run_scoped3A = tpu.sem_alloc : memref<!tpu.dma_semaphore, #tpu.memory_space<semaphore_mem>>
      tpu.enqueue_dma source(%arg5 : memref<128xf32, #tpu.memory_space<hbm>>) target(%arg8 : memref<128xf32, #tpu.memory_space<vmem>>) target_semaphore(%run_scoped3A : memref<!tpu.dma_semaphore, #tpu.memory_space<semaphore_mem>>)
      tpu.wait_dma2 semaphore(%run_scoped3A : memref<!tpu.dma_semaphore, #tpu.memory_space<semaphore_mem>>) src(%arg5 : memref<128xf32, #tpu.memory_space<hbm>>) dst(%arg8 : memref<128xf32, #tpu.memory_space<vmem>>)
      tpu.yield
    }) : () -> ()
    "tpu.region"() ({
      %run_scoped3A = tpu.sem_alloc : memref<!tpu.dma_semaphore, #tpu.memory_space<semaphore_mem>>
      %dma_start3A = tpu.memref_slice %arg9[%mul3A_2] : memref<10240xf32, #tpu.memory_space<vmem_shared>> -> memref<640xf32, #tpu.memory_space<vmem_shared>>
      tpu.enqueue_dma source(%arg4 : memref<640xf32, #tpu.memory_space<hbm>>) target(%dma_start3A : memref<640xf32, #tpu.memory_space<vmem_shared>>) target_semaphore(%run_scoped3A : memref<!tpu.dma_semaphore, #tpu.memory_space<semaphore_mem>>)
      %dma_wait3A = tpu.memref_slice %arg9[%mul3A_2] : memref<10240xf32, #tpu.memory_space<vmem_shared>> -> memref<640xf32, #tpu.memory_space<vmem_shared>>
      tpu.wait_dma2 semaphore(%run_scoped3A : memref<!tpu.dma_semaphore, #tpu.memory_space<semaphore_mem>>) src(%arg4 : memref<640xf32, #tpu.memory_space<hbm>>) dst(%dma_wait3A : memref<640xf32, #tpu.memory_space<vmem_shared>>)
      tpu.yield
    }) : () -> ()
    %barrier3A = arith.constant 0 : index
    tpu.barrier barrier_id(%barrier3A)
    %scan3A = arith.constant 0 : i32
    %scan3A_9 = arith.constant 0 : i32
    %scan3A_10 = arith.constant 81 : i32
    %scan3A_11 = arith.addi %scan3A_9, %scan3A_10 : i32
    %scan3A_12 = arith.constant 1 : i32
    scf.for %scan3A_15 = %scan3A_9 to %scan3A_11 step %scan3A_12  : i32 {
      %run_scoped3A = arith.constant 1 : i32
      "tpu.region"() ({
        %run_scoped3A_16 = tpu.sem_alloc : memref<!tpu.dma_semaphore, #tpu.memory_space<semaphore_mem>>
        %dma_start3A = arith.constant 0 : i32
        %dma_start3A_17 = tpu.memref_slice %arg7[%scan3A_15, %run_scoped3A, %dma_start3A] : memref<81x2x128xi32, #tpu.memory_space<vmem>> -> memref<1x1x128xi32, #tpu.memory_space<vmem>>
        %dma_start3A_18 = tpu.memref_squeeze %dma_start3A_17 : memref<1x1x128xi32, #tpu.memory_space<vmem>> -> memref<128xi32, #tpu.memory_space<vmem>>
        %dma_start3A_19 = arith.constant 0 : i32
        %dma_start3A_20 = tpu.memref_slice %arg9[%dma_start3A_19] : memref<10240xf32, #tpu.memory_space<vmem_shared>> -> memref<10240xf32, #tpu.memory_space<vmem_shared>>
        tpu.enqueue_indirect_dma source(%arg8 : memref<128xf32, #tpu.memory_space<vmem>>) target(%dma_start3A_20 : memref<10240xf32, #tpu.memory_space<vmem_shared>>) offsets(%dma_start3A_18 : memref<128xi32, #tpu.memory_space<vmem>>) semaphore(%run_scoped3A_16 : memref<!tpu.dma_semaphore, #tpu.memory_space<semaphore_mem>>) {add = true}
        %dma_wait3A = arith.constant 0 : i32
        %dma_wait3A_21 = tpu.memref_slice %arg7[%scan3A_15, %run_scoped3A, %dma_wait3A] : memref<81x2x128xi32, #tpu.memory_space<vmem>> -> memref<1x1x128xi32, #tpu.memory_space<vmem>>
        %dma_wait3A_22 = tpu.memref_squeeze %dma_wait3A_21 : memref<1x1x128xi32, #tpu.memory_space<vmem>> -> memref<128xi32, #tpu.memory_space<vmem>>
        %dma_wait3A_23 = arith.constant 0 : i32
        %dma_wait3A_24 = tpu.memref_slice %arg9[%dma_wait3A_23] : memref<10240xf32, #tpu.memory_space<vmem_shared>> -> memref<10240xf32, #tpu.memory_space<vmem_shared>>
        tpu.wait_indirect_dma semaphore(%run_scoped3A_16 : memref<!tpu.dma_semaphore, #tpu.memory_space<semaphore_mem>>) src(%arg8 : memref<128xf32, #tpu.memory_space<vmem>>) dst(%dma_wait3A_24 : memref<10240xf32, #tpu.memory_space<vmem_shared>>)
        tpu.yield
      }) : () -> ()
    }
    %scan3A_13 = arith.constant 81 : i32
    %barrier3A_14 = arith.constant 0 : index
    tpu.barrier barrier_id(%barrier3A_14)
    "tpu.region"() ({
      %run_scoped3A = tpu.sem_alloc : memref<!tpu.dma_semaphore, #tpu.memory_space<semaphore_mem>>
      %dma_start3A = tpu.memref_slice %arg6[%arg0, %mul3A_2] : memref<2x10240xf32, #tpu.memory_space<hbm>> -> memref<1x640xf32, #tpu.memory_space<hbm>>
      %dma_start3A_15 = tpu.memref_squeeze %dma_start3A : memref<1x640xf32, #tpu.memory_space<hbm>> -> memref<640xf32, #tpu.memory_space<hbm>>
      %dma_start3A_16 = tpu.memref_slice %arg9[%mul3A_2] : memref<10240xf32, #tpu.memory_space<vmem_shared>> -> memref<640xf32, #tpu.memory_space<vmem_shared>>
      tpu.enqueue_dma source(%dma_start3A_16 : memref<640xf32, #tpu.memory_space<vmem_shared>>) target(%dma_start3A_15 : memref<640xf32, #tpu.memory_space<hbm>>) target_semaphore(%run_scoped3A : memref<!tpu.dma_semaphore, #tpu.memory_space<semaphore_mem>>)
      %dma_wait3A = tpu.memref_slice %arg6[%arg0, %mul3A_2] : memref<2x10240xf32, #tpu.memory_space<hbm>> -> memref<1x640xf32, #tpu.memory_space<hbm>>
      %dma_wait3A_17 = tpu.memref_squeeze %dma_wait3A : memref<1x640xf32, #tpu.memory_space<hbm>> -> memref<640xf32, #tpu.memory_space<hbm>>
      %dma_wait3A_18 = tpu.memref_slice %arg9[%mul3A_2] : memref<10240xf32, #tpu.memory_space<vmem_shared>> -> memref<640xf32, #tpu.memory_space<vmem_shared>>
      tpu.wait_dma2 semaphore(%run_scoped3A : memref<!tpu.dma_semaphore, #tpu.memory_space<semaphore_mem>>) src(%dma_wait3A_18 : memref<640xf32, #tpu.memory_space<vmem_shared>>) dst(%dma_wait3A_17 : memref<640xf32, #tpu.memory_space<hbm>>)
      tpu.yield
    }) : () -> ()
    return
  }
}

#map = affine_map<(d0, d1) -> (0, 0)>
#map1 = affine_map<(d0, d1) -> (0, 0, 0)>
module attributes {stable_mosaic.version = 14 : i64} {
  func.func @mp_k(%arg0: i32, %arg1: i32, %arg2: memref<10240x64xf32, #tpu.memory_space<hbm>>, %arg3: memref<2500x2x128xi32, #tpu.memory_space<hbm>>, %arg4: memref<162x2x128xi32, #tpu.memory_space<hbm>>, %arg5: memref<640x64xf32, #tpu.memory_space<hbm>>, %arg6: memref<2x10240x64xf32, #tpu.memory_space<hbm>>, %arg7: memref<81x2x128xi32, #tpu.memory_space<vmem>>, %arg8: memref<3x128x64xf32, #tpu.memory_space<vmem>>, %arg9: memref<10240x64xf32, #tpu.memory_space<vmem_shared>>, %arg10: memref<10240x64xf32, #tpu.memory_space<vmem_shared>>, %arg11: memref<!tpu.dma_semaphore, #tpu.memory_space<semaphore_mem>>, %arg12: memref<!tpu.dma_semaphore, #tpu.memory_space<semaphore_mem>>, %arg13: memref<!tpu.dma_semaphore, #tpu.memory_space<semaphore_mem>>) attributes {dimension_semantics = [#tpu.dimension_semantics<core_parallel>, #tpu.dimension_semantics<subcore_parallel>], iteration_bounds = array<i64: 2, 16>, scalar_prefetch = 0 : i64, scratch_operands = 7 : i64, tpu.core_type = #tpu.core_type<sc_vector_subcore>, window_params = [{transform_indices = #map}, {transform_indices = #map1}, {transform_indices = #map1}, {transform_indices = #map}, {transform_indices = #map1}]} {
    %mul3A = arith.constant 2 : i32
    %mul3A_0 = arith.muli %arg1, %mul3A : i32
    %add3A = arith.addi %mul3A_0, %arg0 : i32
    %mul3A_1 = arith.constant 640 : i32
    %mul3A_2 = arith.muli %arg1, %mul3A_1 : i32
    %dma_start3A = arith.constant 0 : i32
    %dma_start3A_3 = tpu.memref_slice %arg9[%mul3A_2, %dma_start3A] : memref<10240x64xf32, #tpu.memory_space<vmem_shared>> -> memref<640x64xf32, #tpu.memory_space<vmem_shared>>
    %dma_start3A_4 = arith.constant 0 : i32
    %dma_start3A_5 = tpu.memref_slice %arg2[%mul3A_2, %dma_start3A_4] : memref<10240x64xf32, #tpu.memory_space<hbm>> -> memref<640x64xf32, #tpu.memory_space<hbm>>
    tpu.enqueue_dma source(%dma_start3A_5 : memref<640x64xf32, #tpu.memory_space<hbm>>) target(%dma_start3A_3 : memref<640x64xf32, #tpu.memory_space<vmem_shared>>) target_semaphore(%arg12 : memref<!tpu.dma_semaphore, #tpu.memory_space<semaphore_mem>>)
    %dma_start3A_6 = arith.constant 0 : i32
    %dma_start3A_7 = tpu.memref_slice %arg10[%mul3A_2, %dma_start3A_6] : memref<10240x64xf32, #tpu.memory_space<vmem_shared>> -> memref<640x64xf32, #tpu.memory_space<vmem_shared>>
    tpu.enqueue_dma source(%arg5 : memref<640x64xf32, #tpu.memory_space<hbm>>) target(%dma_start3A_7 : memref<640x64xf32, #tpu.memory_space<vmem_shared>>) target_semaphore(%arg13 : memref<!tpu.dma_semaphore, #tpu.memory_space<semaphore_mem>>)
    %lt3A = arith.constant 30 : i32
    %lt3A_8 = arith.cmpi slt, %add3A, %lt3A : i32
    %convert_element_type3A = arith.extui %lt3A_8 : i1 to i32
    %cond3A = arith.constant 0 : i32
    %cond3A_9 = arith.cmpi ne, %convert_element_type3A, %cond3A : i32
    scf.if %cond3A_9 {
      %mul3A_51 = arith.constant 81 : i32
      %mul3A_52 = arith.muli %add3A, %mul3A_51 : i32
      %dma_start3A_53 = arith.constant 0 : i32
      %dma_start3A_54 = arith.constant 0 : i32
      %dma_start3A_55 = tpu.memref_slice %arg3[%mul3A_52, %dma_start3A_53, %dma_start3A_54] : memref<2500x2x128xi32, #tpu.memory_space<hbm>> -> memref<81x2x128xi32, #tpu.memory_space<hbm>>
      %dma_start3A_56 = arith.constant 0 : i32
      %dma_start3A_57 = arith.constant 0 : i32
      %dma_start3A_58 = tpu.memref_slice %arg3[%mul3A_52, %dma_start3A_56, %dma_start3A_57] : memref<2500x2x128xi32, #tpu.memory_space<hbm>> -> memref<81x2x128xi32, #tpu.memory_space<hbm>>
      tpu.enqueue_dma source(%dma_start3A_58 : memref<81x2x128xi32, #tpu.memory_space<hbm>>) target(%arg7 : memref<81x2x128xi32, #tpu.memory_space<vmem>>) target_semaphore(%arg11 : memref<!tpu.dma_semaphore, #tpu.memory_space<semaphore_mem>>)
      %dma_wait3A_59 = arith.constant 0 : i32
      %dma_wait3A_60 = arith.constant 0 : i32
      %dma_wait3A_61 = tpu.memref_slice %arg3[%mul3A_52, %dma_wait3A_59, %dma_wait3A_60] : memref<2500x2x128xi32, #tpu.memory_space<hbm>> -> memref<81x2x128xi32, #tpu.memory_space<hbm>>
      %dma_wait3A_62 = arith.constant 0 : i32
      %dma_wait3A_63 = arith.constant 0 : i32
      %dma_wait3A_64 = tpu.memref_slice %arg3[%mul3A_52, %dma_wait3A_62, %dma_wait3A_63] : memref<2500x2x128xi32, #tpu.memory_space<hbm>> -> memref<81x2x128xi32, #tpu.memory_space<hbm>>
      tpu.wait_dma2 semaphore(%arg11 : memref<!tpu.dma_semaphore, #tpu.memory_space<semaphore_mem>>) src(%dma_wait3A_64 : memref<81x2x128xi32, #tpu.memory_space<hbm>>) dst(%arg7 : memref<81x2x128xi32, #tpu.memory_space<vmem>>)
    } else {
    }
    %ge3A = arith.constant 30 : i32
    %ge3A_10 = arith.cmpi sge, %add3A, %ge3A : i32
    %convert_element_type3A_11 = arith.extui %ge3A_10 : i1 to i32
    %cond3A_12 = arith.constant 0 : i32
    %cond3A_13 = arith.cmpi ne, %convert_element_type3A_11, %cond3A_12 : i32
    scf.if %cond3A_13 {
      %sub3A = arith.constant 30 : i32
      %sub3A_51 = arith.subi %add3A, %sub3A : i32
      %mul3A_52 = arith.constant 81 : i32
      %mul3A_53 = arith.muli %sub3A_51, %mul3A_52 : i32
      %dma_start3A_54 = arith.constant 0 : i32
      %dma_start3A_55 = arith.constant 0 : i32
      %dma_start3A_56 = tpu.memref_slice %arg4[%mul3A_53, %dma_start3A_54, %dma_start3A_55] : memref<162x2x128xi32, #tpu.memory_space<hbm>> -> memref<81x2x128xi32, #tpu.memory_space<hbm>>
      %dma_start3A_57 = arith.constant 0 : i32
      %dma_start3A_58 = arith.constant 0 : i32
      %dma_start3A_59 = tpu.memref_slice %arg4[%mul3A_53, %dma_start3A_57, %dma_start3A_58] : memref<162x2x128xi32, #tpu.memory_space<hbm>> -> memref<81x2x128xi32, #tpu.memory_space<hbm>>
      tpu.enqueue_dma source(%dma_start3A_59 : memref<81x2x128xi32, #tpu.memory_space<hbm>>) target(%arg7 : memref<81x2x128xi32, #tpu.memory_space<vmem>>) target_semaphore(%arg11 : memref<!tpu.dma_semaphore, #tpu.memory_space<semaphore_mem>>)
      %dma_wait3A_60 = arith.constant 0 : i32
      %dma_wait3A_61 = arith.constant 0 : i32
      %dma_wait3A_62 = tpu.memref_slice %arg4[%mul3A_53, %dma_wait3A_60, %dma_wait3A_61] : memref<162x2x128xi32, #tpu.memory_space<hbm>> -> memref<81x2x128xi32, #tpu.memory_space<hbm>>
      %dma_wait3A_63 = arith.constant 0 : i32
      %dma_wait3A_64 = arith.constant 0 : i32
      %dma_wait3A_65 = tpu.memref_slice %arg4[%mul3A_53, %dma_wait3A_63, %dma_wait3A_64] : memref<162x2x128xi32, #tpu.memory_space<hbm>> -> memref<81x2x128xi32, #tpu.memory_space<hbm>>
      tpu.wait_dma2 semaphore(%arg11 : memref<!tpu.dma_semaphore, #tpu.memory_space<semaphore_mem>>) src(%dma_wait3A_65 : memref<81x2x128xi32, #tpu.memory_space<hbm>>) dst(%arg7 : memref<81x2x128xi32, #tpu.memory_space<vmem>>)
    } else {
    }
    %dma_wait3A = arith.constant 0 : i32
    %dma_wait3A_14 = tpu.memref_slice %arg9[%mul3A_2, %dma_wait3A] : memref<10240x64xf32, #tpu.memory_space<vmem_shared>> -> memref<640x64xf32, #tpu.memory_space<vmem_shared>>
    %dma_wait3A_15 = arith.constant 0 : i32
    %dma_wait3A_16 = tpu.memref_slice %arg2[%mul3A_2, %dma_wait3A_15] : memref<10240x64xf32, #tpu.memory_space<hbm>> -> memref<640x64xf32, #tpu.memory_space<hbm>>
    tpu.wait_dma2 semaphore(%arg12 : memref<!tpu.dma_semaphore, #tpu.memory_space<semaphore_mem>>) src(%dma_wait3A_16 : memref<640x64xf32, #tpu.memory_space<hbm>>) dst(%dma_wait3A_14 : memref<640x64xf32, #tpu.memory_space<vmem_shared>>)
    %dma_wait3A_17 = arith.constant 0 : i32
    %dma_wait3A_18 = tpu.memref_slice %arg10[%mul3A_2, %dma_wait3A_17] : memref<10240x64xf32, #tpu.memory_space<vmem_shared>> -> memref<640x64xf32, #tpu.memory_space<vmem_shared>>
    tpu.wait_dma2 semaphore(%arg13 : memref<!tpu.dma_semaphore, #tpu.memory_space<semaphore_mem>>) src(%arg5 : memref<640x64xf32, #tpu.memory_space<hbm>>) dst(%dma_wait3A_18 : memref<640x64xf32, #tpu.memory_space<vmem_shared>>)
    %barrier3A = arith.constant 0 : index
    tpu.barrier barrier_id(%barrier3A)
    %dma_start3A_19 = arith.constant 0 : i32
    %dma_start3A_20 = arith.constant 0 : i32
    %dma_start3A_21 = arith.constant 0 : i32
    %dma_start3A_22 = arith.constant 0 : i32
    %dma_start3A_23 = arith.constant 0 : i32
    %dma_start3A_24 = tpu.memref_slice %arg8[%dma_start3A_21, %dma_start3A_22, %dma_start3A_23] : memref<3x128x64xf32, #tpu.memory_space<vmem>> -> memref<1x128x64xf32, #tpu.memory_space<vmem>>
    %dma_start3A_25 = tpu.memref_squeeze %dma_start3A_24 : memref<1x128x64xf32, #tpu.memory_space<vmem>> -> memref<128x64xf32, #tpu.memory_space<vmem>>
    %dma_start3A_26 = arith.constant 0 : i32
    %dma_start3A_27 = tpu.memref_slice %arg7[%dma_start3A_19, %dma_start3A_20, %dma_start3A_26] : memref<81x2x128xi32, #tpu.memory_space<vmem>> -> memref<1x1x128xi32, #tpu.memory_space<vmem>>
    %dma_start3A_28 = tpu.memref_squeeze %dma_start3A_27 : memref<1x1x128xi32, #tpu.memory_space<vmem>> -> memref<128xi32, #tpu.memory_space<vmem>>
    %dma_start3A_29 = arith.constant 0 : i32
    %dma_start3A_30 = arith.constant 0 : i32
    %dma_start3A_31 = tpu.memref_slice %arg9[%dma_start3A_29, %dma_start3A_30] : memref<10240x64xf32, #tpu.memory_space<vmem_shared>> -> memref<10240x64xf32, #tpu.memory_space<vmem_shared>>
    tpu.enqueue_indirect_dma source(%dma_start3A_31 : memref<10240x64xf32, #tpu.memory_space<vmem_shared>>) target(%dma_start3A_25 : memref<128x64xf32, #tpu.memory_space<vmem>>) offsets(%dma_start3A_28 : memref<128xi32, #tpu.memory_space<vmem>>) semaphore(%arg11 : memref<!tpu.dma_semaphore, #tpu.memory_space<semaphore_mem>>)
    %dma_start3A_32 = arith.constant 1 : i32
    %dma_start3A_33 = arith.constant 0 : i32
    %dma_start3A_34 = arith.constant 1 : i32
    %dma_start3A_35 = arith.constant 0 : i32
    %dma_start3A_36 = arith.constant 0 : i32
    %dma_start3A_37 = tpu.memref_slice %arg8[%dma_start3A_34, %dma_start3A_35, %dma_start3A_36] : memref<3x128x64xf32, #tpu.memory_space<vmem>> -> memref<1x128x64xf32, #tpu.memory_space<vmem>>
    %dma_start3A_38 = tpu.memref_squeeze %dma_start3A_37 : memref<1x128x64xf32, #tpu.memory_space<vmem>> -> memref<128x64xf32, #tpu.memory_space<vmem>>
    %dma_start3A_39 = arith.constant 0 : i32
    %dma_start3A_40 = tpu.memref_slice %arg7[%dma_start3A_32, %dma_start3A_33, %dma_start3A_39] : memref<81x2x128xi32, #tpu.memory_space<vmem>> -> memref<1x1x128xi32, #tpu.memory_space<vmem>>
    %dma_start3A_41 = tpu.memref_squeeze %dma_start3A_40 : memref<1x1x128xi32, #tpu.memory_space<vmem>> -> memref<128xi32, #tpu.memory_space<vmem>>
    %dma_start3A_42 = arith.constant 0 : i32
    %dma_start3A_43 = arith.constant 0 : i32
    %dma_start3A_44 = tpu.memref_slice %arg9[%dma_start3A_42, %dma_start3A_43] : memref<10240x64xf32, #tpu.memory_space<vmem_shared>> -> memref<10240x64xf32, #tpu.memory_space<vmem_shared>>
    tpu.enqueue_indirect_dma source(%dma_start3A_44 : memref<10240x64xf32, #tpu.memory_space<vmem_shared>>) target(%dma_start3A_38 : memref<128x64xf32, #tpu.memory_space<vmem>>) offsets(%dma_start3A_41 : memref<128xi32, #tpu.memory_space<vmem>>) semaphore(%arg12 : memref<!tpu.dma_semaphore, #tpu.memory_space<semaphore_mem>>)
    %scan3A = arith.constant 0 : i32
    %scan3A_45 = arith.constant 0 : i32
    %scan3A_46 = arith.constant 27 : i32
    %scan3A_47 = arith.addi %scan3A_45, %scan3A_46 : i32
    %scan3A_48 = arith.constant 1 : i32
    scf.for %scan3A_51 = %scan3A_45 to %scan3A_47 step %scan3A_48  : i32 {
      %mul3A_52 = arith.constant 3 : i32
      %mul3A_53 = arith.muli %scan3A_51, %mul3A_52 : i32
      %add3A_54 = arith.constant 0 : i32
      %add3A_55 = arith.addi %mul3A_53, %add3A_54 : i32
      %add3A_56 = arith.constant 3 : i32
      %add3A_57 = arith.addi %add3A_55, %add3A_56 : i32
      %sub3A = arith.constant 1 : i32
      %sub3A_58 = arith.subi %add3A_57, %sub3A : i32
      %lt3A_59 = arith.constant 81 : i32
      %lt3A_60 = arith.cmpi slt, %sub3A_58, %lt3A_59 : i32
      %convert_element_type3A_61 = arith.extui %lt3A_60 : i1 to i32
      %cond3A_62 = arith.constant 0 : i32
      %cond3A_63 = arith.cmpi ne, %convert_element_type3A_61, %cond3A_62 : i32
      scf.if %cond3A_63 {
        %dma_start3A_130 = arith.constant 0 : i32
        %dma_start3A_131 = arith.constant 2 : i32
        %dma_start3A_132 = arith.constant 0 : i32
        %dma_start3A_133 = arith.constant 0 : i32
        %dma_start3A_134 = tpu.memref_slice %arg8[%dma_start3A_131, %dma_start3A_132, %dma_start3A_133] : memref<3x128x64xf32, #tpu.memory_space<vmem>> -> memref<1x128x64xf32, #tpu.memory_space<vmem>>
        %dma_start3A_135 = tpu.memref_squeeze %dma_start3A_134 : memref<1x128x64xf32, #tpu.memory_space<vmem>> -> memref<128x64xf32, #tpu.memory_space<vmem>>
        %dma_start3A_136 = arith.constant 0 : i32
        %dma_start3A_137 = tpu.memref_slice %arg7[%sub3A_58, %dma_start3A_130, %dma_start3A_136] : memref<81x2x128xi32, #tpu.memory_space<vmem>> -> memref<1x1x128xi32, #tpu.memory_space<vmem>>
        %dma_start3A_138 = tpu.memref_squeeze %dma_start3A_137 : memref<1x1x128xi32, #tpu.memory_space<vmem>> -> memref<128xi32, #tpu.memory_space<vmem>>
        %dma_start3A_139 = arith.constant 0 : i32
        %dma_start3A_140 = arith.constant 0 : i32
        %dma_start3A_141 = tpu.memref_slice %arg9[%dma_start3A_139, %dma_start3A_140] : memref<10240x64xf32, #tpu.memory_space<vmem_shared>> -> memref<10240x64xf32, #tpu.memory_space<vmem_shared>>
        tpu.enqueue_indirect_dma source(%dma_start3A_141 : memref<10240x64xf32, #tpu.memory_space<vmem_shared>>) target(%dma_start3A_135 : memref<128x64xf32, #tpu.memory_space<vmem>>) offsets(%dma_start3A_138 : memref<128xi32, #tpu.memory_space<vmem>>) semaphore(%arg13 : memref<!tpu.dma_semaphore, #tpu.memory_space<semaphore_mem>>)
      } else {
      }
      %dma_wait3A_64 = arith.constant 0 : i32
      %dma_wait3A_65 = arith.constant 0 : i32
      %dma_wait3A_66 = arith.constant 0 : i32
      %dma_wait3A_67 = arith.constant 0 : i32
      %dma_wait3A_68 = arith.constant 0 : i32
      %dma_wait3A_69 = tpu.memref_slice %arg8[%dma_wait3A_66, %dma_wait3A_67, %dma_wait3A_68] : memref<3x128x64xf32, #tpu.memory_space<vmem>> -> memref<1x128x64xf32, #tpu.memory_space<vmem>>
      %dma_wait3A_70 = tpu.memref_squeeze %dma_wait3A_69 : memref<1x128x64xf32, #tpu.memory_space<vmem>> -> memref<128x64xf32, #tpu.memory_space<vmem>>
      %dma_wait3A_71 = arith.constant 0 : i32
      %dma_wait3A_72 = tpu.memref_slice %arg7[%dma_wait3A_64, %dma_wait3A_65, %dma_wait3A_71] : memref<81x2x128xi32, #tpu.memory_space<vmem>> -> memref<1x1x128xi32, #tpu.memory_space<vmem>>
      %dma_wait3A_73 = tpu.memref_squeeze %dma_wait3A_72 : memref<1x1x128xi32, #tpu.memory_space<vmem>> -> memref<128xi32, #tpu.memory_space<vmem>>
      %dma_wait3A_74 = arith.constant 0 : i32
      %dma_wait3A_75 = arith.constant 0 : i32
      %dma_wait3A_76 = tpu.memref_slice %arg9[%dma_wait3A_74, %dma_wait3A_75] : memref<10240x64xf32, #tpu.memory_space<vmem_shared>> -> memref<10240x64xf32, #tpu.memory_space<vmem_shared>>
      tpu.wait_indirect_dma semaphore(%arg11 : memref<!tpu.dma_semaphore, #tpu.memory_space<semaphore_mem>>) src(%dma_wait3A_76 : memref<10240x64xf32, #tpu.memory_space<vmem_shared>>) dst(%dma_wait3A_70 : memref<128x64xf32, #tpu.memory_space<vmem>>)
      %run_scoped3A = arith.constant 0 : i32
      %run_scoped3A_77 = arith.constant 1 : i32
      "tpu.region"() ({
        %run_scoped3A_130 = tpu.sem_alloc : memref<!tpu.dma_semaphore, #tpu.memory_space<semaphore_mem>>
        %dma_start3A_131 = arith.constant 0 : i32
        %dma_start3A_132 = arith.constant 0 : i32
        %dma_start3A_133 = tpu.memref_slice %arg8[%run_scoped3A, %dma_start3A_131, %dma_start3A_132] : memref<3x128x64xf32, #tpu.memory_space<vmem>> -> memref<1x128x64xf32, #tpu.memory_space<vmem>>
        %dma_start3A_134 = tpu.memref_squeeze %dma_start3A_133 : memref<1x128x64xf32, #tpu.memory_space<vmem>> -> memref<128x64xf32, #tpu.memory_space<vmem>>
        %dma_start3A_135 = arith.constant 0 : i32
        %dma_start3A_136 = tpu.memref_slice %arg7[%add3A_55, %run_scoped3A_77, %dma_start3A_135] : memref<81x2x128xi32, #tpu.memory_space<vmem>> -> memref<1x1x128xi32, #tpu.memory_space<vmem>>
        %dma_start3A_137 = tpu.memref_squeeze %dma_start3A_136 : memref<1x1x128xi32, #tpu.memory_space<vmem>> -> memref<128xi32, #tpu.memory_space<vmem>>
        %dma_start3A_138 = arith.constant 0 : i32
        %dma_start3A_139 = arith.constant 0 : i32
        %dma_start3A_140 = tpu.memref_slice %arg10[%dma_start3A_138, %dma_start3A_139] : memref<10240x64xf32, #tpu.memory_space<vmem_shared>> -> memref<10240x64xf32, #tpu.memory_space<vmem_shared>>
        tpu.enqueue_indirect_dma source(%dma_start3A_134 : memref<128x64xf32, #tpu.memory_space<vmem>>) target(%dma_start3A_140 : memref<10240x64xf32, #tpu.memory_space<vmem_shared>>) offsets(%dma_start3A_137 : memref<128xi32, #tpu.memory_space<vmem>>) semaphore(%run_scoped3A_130 : memref<!tpu.dma_semaphore, #tpu.memory_space<semaphore_mem>>) {add = true}
        %dma_wait3A_141 = arith.constant 0 : i32
        %dma_wait3A_142 = arith.constant 0 : i32
        %dma_wait3A_143 = tpu.memref_slice %arg8[%run_scoped3A, %dma_wait3A_141, %dma_wait3A_142] : memref<3x128x64xf32, #tpu.memory_space<vmem>> -> memref<1x128x64xf32, #tpu.memory_space<vmem>>
        %dma_wait3A_144 = tpu.memref_squeeze %dma_wait3A_143 : memref<1x128x64xf32, #tpu.memory_space<vmem>> -> memref<128x64xf32, #tpu.memory_space<vmem>>
        %dma_wait3A_145 = arith.constant 0 : i32
        %dma_wait3A_146 = tpu.memref_slice %arg7[%add3A_55, %run_scoped3A_77, %dma_wait3A_145] : memref<81x2x128xi32, #tpu.memory_space<vmem>> -> memref<1x1x128xi32, #tpu.memory_space<vmem>>
        %dma_wait3A_147 = tpu.memref_squeeze %dma_wait3A_146 : memref<1x1x128xi32, #tpu.memory_space<vmem>> -> memref<128xi32, #tpu.memory_space<vmem>>
        %dma_wait3A_148 = arith.constant 0 : i32
        %dma_wait3A_149 = arith.constant 0 : i32
        %dma_wait3A_150 = tpu.memref_slice %arg10[%dma_wait3A_148, %dma_wait3A_149] : memref<10240x64xf32, #tpu.memory_space<vmem_shared>> -> memref<10240x64xf32, #tpu.memory_space<vmem_shared>>
        tpu.wait_indirect_dma semaphore(%run_scoped3A_130 : memref<!tpu.dma_semaphore, #tpu.memory_space<semaphore_mem>>) src(%dma_wait3A_144 : memref<128x64xf32, #tpu.memory_space<vmem>>) dst(%dma_wait3A_150 : memref<10240x64xf32, #tpu.memory_space<vmem_shared>>)
        tpu.yield
      }) : () -> ()
      %add3A_78 = arith.constant 1 : i32
      %add3A_79 = arith.addi %mul3A_53, %add3A_78 : i32
      %add3A_80 = arith.constant 3 : i32
      %add3A_81 = arith.addi %add3A_79, %add3A_80 : i32
      %sub3A_82 = arith.constant 1 : i32
      %sub3A_83 = arith.subi %add3A_81, %sub3A_82 : i32
      %lt3A_84 = arith.constant 81 : i32
      %lt3A_85 = arith.cmpi slt, %sub3A_83, %lt3A_84 : i32
      %convert_element_type3A_86 = arith.extui %lt3A_85 : i1 to i32
      %cond3A_87 = arith.constant 0 : i32
      %cond3A_88 = arith.cmpi ne, %convert_element_type3A_86, %cond3A_87 : i32
      scf.if %cond3A_88 {
        %dma_start3A_130 = arith.constant 0 : i32
        %dma_start3A_131 = arith.constant 0 : i32
        %dma_start3A_132 = arith.constant 0 : i32
        %dma_start3A_133 = arith.constant 0 : i32
        %dma_start3A_134 = tpu.memref_slice %arg8[%dma_start3A_131, %dma_start3A_132, %dma_start3A_133] : memref<3x128x64xf32, #tpu.memory_space<vmem>> -> memref<1x128x64xf32, #tpu.memory_space<vmem>>
        %dma_start3A_135 = tpu.memref_squeeze %dma_start3A_134 : memref<1x128x64xf32, #tpu.memory_space<vmem>> -> memref<128x64xf32, #tpu.memory_space<vmem>>
        %dma_start3A_136 = arith.constant 0 : i32
        %dma_start3A_137 = tpu.memref_slice %arg7[%sub3A_83, %dma_start3A_130, %dma_start3A_136] : memref<81x2x128xi32, #tpu.memory_space<vmem>> -> memref<1x1x128xi32, #tpu.memory_space<vmem>>
        %dma_start3A_138 = tpu.memref_squeeze %dma_start3A_137 : memref<1x1x128xi32, #tpu.memory_space<vmem>> -> memref<128xi32, #tpu.memory_space<vmem>>
        %dma_start3A_139 = arith.constant 0 : i32
        %dma_start3A_140 = arith.constant 0 : i32
        %dma_start3A_141 = tpu.memref_slice %arg9[%dma_start3A_139, %dma_start3A_140] : memref<10240x64xf32, #tpu.memory_space<vmem_shared>> -> memref<10240x64xf32, #tpu.memory_space<vmem_shared>>
        tpu.enqueue_indirect_dma source(%dma_start3A_141 : memref<10240x64xf32, #tpu.memory_space<vmem_shared>>) target(%dma_start3A_135 : memref<128x64xf32, #tpu.memory_space<vmem>>) offsets(%dma_start3A_138 : memref<128xi32, #tpu.memory_space<vmem>>) semaphore(%arg11 : memref<!tpu.dma_semaphore, #tpu.memory_space<semaphore_mem>>)
      } else {
      }
      %dma_wait3A_89 = arith.constant 0 : i32
      %dma_wait3A_90 = arith.constant 0 : i32
      %dma_wait3A_91 = arith.constant 1 : i32
      %dma_wait3A_92 = arith.constant 0 : i32
      %dma_wait3A_93 = arith.constant 0 : i32
      %dma_wait3A_94 = tpu.memref_slice %arg8[%dma_wait3A_91, %dma_wait3A_92, %dma_wait3A_93] : memref<3x128x64xf32, #tpu.memory_space<vmem>> -> memref<1x128x64xf32, #tpu.memory_space<vmem>>
      %dma_wait3A_95 = tpu.memref_squeeze %dma_wait3A_94 : memref<1x128x64xf32, #tpu.memory_space<vmem>> -> memref<128x64xf32, #tpu.memory_space<vmem>>
      %dma_wait3A_96 = arith.constant 0 : i32
      %dma_wait3A_97 = tpu.memref_slice %arg7[%dma_wait3A_89, %dma_wait3A_90, %dma_wait3A_96] : memref<81x2x128xi32, #tpu.memory_space<vmem>> -> memref<1x1x128xi32, #tpu.memory_space<vmem>>
      %dma_wait3A_98 = tpu.memref_squeeze %dma_wait3A_97 : memref<1x1x128xi32, #tpu.memory_space<vmem>> -> memref<128xi32, #tpu.memory_space<vmem>>
      %dma_wait3A_99 = arith.constant 0 : i32
      %dma_wait3A_100 = arith.constant 0 : i32
      %dma_wait3A_101 = tpu.memref_slice %arg9[%dma_wait3A_99, %dma_wait3A_100] : memref<10240x64xf32, #tpu.memory_space<vmem_shared>> -> memref<10240x64xf32, #tpu.memory_space<vmem_shared>>
      tpu.wait_indirect_dma semaphore(%arg12 : memref<!tpu.dma_semaphore, #tpu.memory_space<semaphore_mem>>) src(%dma_wait3A_101 : memref<10240x64xf32, #tpu.memory_space<vmem_shared>>) dst(%dma_wait3A_95 : memref<128x64xf32, #tpu.memory_space<vmem>>)
      %run_scoped3A_102 = arith.constant 1 : i32
      %run_scoped3A_103 = arith.constant 1 : i32
      "tpu.region"() ({
        %run_scoped3A_130 = tpu.sem_alloc : memref<!tpu.dma_semaphore, #tpu.memory_space<semaphore_mem>>
        %dma_start3A_131 = arith.constant 0 : i32
        %dma_start3A_132 = arith.constant 0 : i32
        %dma_start3A_133 = tpu.memref_slice %arg8[%run_scoped3A_102, %dma_start3A_131, %dma_start3A_132] : memref<3x128x64xf32, #tpu.memory_space<vmem>> -> memref<1x128x64xf32, #tpu.memory_space<vmem>>
        %dma_start3A_134 = tpu.memref_squeeze %dma_start3A_133 : memref<1x128x64xf32, #tpu.memory_space<vmem>> -> memref<128x64xf32, #tpu.memory_space<vmem>>
        %dma_start3A_135 = arith.constant 0 : i32
        %dma_start3A_136 = tpu.memref_slice %arg7[%add3A_79, %run_scoped3A_103, %dma_start3A_135] : memref<81x2x128xi32, #tpu.memory_space<vmem>> -> memref<1x1x128xi32, #tpu.memory_space<vmem>>
        %dma_start3A_137 = tpu.memref_squeeze %dma_start3A_136 : memref<1x1x128xi32, #tpu.memory_space<vmem>> -> memref<128xi32, #tpu.memory_space<vmem>>
        %dma_start3A_138 = arith.constant 0 : i32
        %dma_start3A_139 = arith.constant 0 : i32
        %dma_start3A_140 = tpu.memref_slice %arg10[%dma_start3A_138, %dma_start3A_139] : memref<10240x64xf32, #tpu.memory_space<vmem_shared>> -> memref<10240x64xf32, #tpu.memory_space<vmem_shared>>
        tpu.enqueue_indirect_dma source(%dma_start3A_134 : memref<128x64xf32, #tpu.memory_space<vmem>>) target(%dma_start3A_140 : memref<10240x64xf32, #tpu.memory_space<vmem_shared>>) offsets(%dma_start3A_137 : memref<128xi32, #tpu.memory_space<vmem>>) semaphore(%run_scoped3A_130 : memref<!tpu.dma_semaphore, #tpu.memory_space<semaphore_mem>>) {add = true}
        %dma_wait3A_141 = arith.constant 0 : i32
        %dma_wait3A_142 = arith.constant 0 : i32
        %dma_wait3A_143 = tpu.memref_slice %arg8[%run_scoped3A_102, %dma_wait3A_141, %dma_wait3A_142] : memref<3x128x64xf32, #tpu.memory_space<vmem>> -> memref<1x128x64xf32, #tpu.memory_space<vmem>>
        %dma_wait3A_144 = tpu.memref_squeeze %dma_wait3A_143 : memref<1x128x64xf32, #tpu.memory_space<vmem>> -> memref<128x64xf32, #tpu.memory_space<vmem>>
        %dma_wait3A_145 = arith.constant 0 : i32
        %dma_wait3A_146 = tpu.memref_slice %arg7[%add3A_79, %run_scoped3A_103, %dma_wait3A_145] : memref<81x2x128xi32, #tpu.memory_space<vmem>> -> memref<1x1x128xi32, #tpu.memory_space<vmem>>
        %dma_wait3A_147 = tpu.memref_squeeze %dma_wait3A_146 : memref<1x1x128xi32, #tpu.memory_space<vmem>> -> memref<128xi32, #tpu.memory_space<vmem>>
        %dma_wait3A_148 = arith.constant 0 : i32
        %dma_wait3A_149 = arith.constant 0 : i32
        %dma_wait3A_150 = tpu.memref_slice %arg10[%dma_wait3A_148, %dma_wait3A_149] : memref<10240x64xf32, #tpu.memory_space<vmem_shared>> -> memref<10240x64xf32, #tpu.memory_space<vmem_shared>>
        tpu.wait_indirect_dma semaphore(%run_scoped3A_130 : memref<!tpu.dma_semaphore, #tpu.memory_space<semaphore_mem>>) src(%dma_wait3A_144 : memref<128x64xf32, #tpu.memory_space<vmem>>) dst(%dma_wait3A_150 : memref<10240x64xf32, #tpu.memory_space<vmem_shared>>)
        tpu.yield
      }) : () -> ()
      %add3A_104 = arith.constant 2 : i32
      %add3A_105 = arith.addi %mul3A_53, %add3A_104 : i32
      %add3A_106 = arith.constant 3 : i32
      %add3A_107 = arith.addi %add3A_105, %add3A_106 : i32
      %sub3A_108 = arith.constant 1 : i32
      %sub3A_109 = arith.subi %add3A_107, %sub3A_108 : i32
      %lt3A_110 = arith.constant 81 : i32
      %lt3A_111 = arith.cmpi slt, %sub3A_109, %lt3A_110 : i32
      %convert_element_type3A_112 = arith.extui %lt3A_111 : i1 to i32
      %cond3A_113 = arith.constant 0 : i32
      %cond3A_114 = arith.cmpi ne, %convert_element_type3A_112, %cond3A_113 : i32
      scf.if %cond3A_114 {
        %dma_start3A_130 = arith.constant 0 : i32
        %dma_start3A_131 = arith.constant 1 : i32
        %dma_start3A_132 = arith.constant 0 : i32
        %dma_start3A_133 = arith.constant 0 : i32
        %dma_start3A_134 = tpu.memref_slice %arg8[%dma_start3A_131, %dma_start3A_132, %dma_start3A_133] : memref<3x128x64xf32, #tpu.memory_space<vmem>> -> memref<1x128x64xf32, #tpu.memory_space<vmem>>
        %dma_start3A_135 = tpu.memref_squeeze %dma_start3A_134 : memref<1x128x64xf32, #tpu.memory_space<vmem>> -> memref<128x64xf32, #tpu.memory_space<vmem>>
        %dma_start3A_136 = arith.constant 0 : i32
        %dma_start3A_137 = tpu.memref_slice %arg7[%sub3A_109, %dma_start3A_130, %dma_start3A_136] : memref<81x2x128xi32, #tpu.memory_space<vmem>> -> memref<1x1x128xi32, #tpu.memory_space<vmem>>
        %dma_start3A_138 = tpu.memref_squeeze %dma_start3A_137 : memref<1x1x128xi32, #tpu.memory_space<vmem>> -> memref<128xi32, #tpu.memory_space<vmem>>
        %dma_start3A_139 = arith.constant 0 : i32
        %dma_start3A_140 = arith.constant 0 : i32
        %dma_start3A_141 = tpu.memref_slice %arg9[%dma_start3A_139, %dma_start3A_140] : memref<10240x64xf32, #tpu.memory_space<vmem_shared>> -> memref<10240x64xf32, #tpu.memory_space<vmem_shared>>
        tpu.enqueue_indirect_dma source(%dma_start3A_141 : memref<10240x64xf32, #tpu.memory_space<vmem_shared>>) target(%dma_start3A_135 : memref<128x64xf32, #tpu.memory_space<vmem>>) offsets(%dma_start3A_138 : memref<128xi32, #tpu.memory_space<vmem>>) semaphore(%arg12 : memref<!tpu.dma_semaphore, #tpu.memory_space<semaphore_mem>>)
      } else {
      }
      %dma_wait3A_115 = arith.constant 0 : i32
      %dma_wait3A_116 = arith.constant 0 : i32
      %dma_wait3A_117 = arith.constant 2 : i32
      %dma_wait3A_118 = arith.constant 0 : i32
      %dma_wait3A_119 = arith.constant 0 : i32
      %dma_wait3A_120 = tpu.memref_slice %arg8[%dma_wait3A_117, %dma_wait3A_118, %dma_wait3A_119] : memref<3x128x64xf32, #tpu.memory_space<vmem>> -> memref<1x128x64xf32, #tpu.memory_space<vmem>>
      %dma_wait3A_121 = tpu.memref_squeeze %dma_wait3A_120 : memref<1x128x64xf32, #tpu.memory_space<vmem>> -> memref<128x64xf32, #tpu.memory_space<vmem>>
      %dma_wait3A_122 = arith.constant 0 : i32
      %dma_wait3A_123 = tpu.memref_slice %arg7[%dma_wait3A_115, %dma_wait3A_116, %dma_wait3A_122] : memref<81x2x128xi32, #tpu.memory_space<vmem>> -> memref<1x1x128xi32, #tpu.memory_space<vmem>>
      %dma_wait3A_124 = tpu.memref_squeeze %dma_wait3A_123 : memref<1x1x128xi32, #tpu.memory_space<vmem>> -> memref<128xi32, #tpu.memory_space<vmem>>
      %dma_wait3A_125 = arith.constant 0 : i32
      %dma_wait3A_126 = arith.constant 0 : i32
      %dma_wait3A_127 = tpu.memref_slice %arg9[%dma_wait3A_125, %dma_wait3A_126] : memref<10240x64xf32, #tpu.memory_space<vmem_shared>> -> memref<10240x64xf32, #tpu.memory_space<vmem_shared>>
      tpu.wait_indirect_dma semaphore(%arg13 : memref<!tpu.dma_semaphore, #tpu.memory_space<semaphore_mem>>) src(%dma_wait3A_127 : memref<10240x64xf32, #tpu.memory_space<vmem_shared>>) dst(%dma_wait3A_121 : memref<128x64xf32, #tpu.memory_space<vmem>>)
      %run_scoped3A_128 = arith.constant 2 : i32
      %run_scoped3A_129 = arith.constant 1 : i32
      "tpu.region"() ({
        %run_scoped3A_130 = tpu.sem_alloc : memref<!tpu.dma_semaphore, #tpu.memory_space<semaphore_mem>>
        %dma_start3A_131 = arith.constant 0 : i32
        %dma_start3A_132 = arith.constant 0 : i32
        %dma_start3A_133 = tpu.memref_slice %arg8[%run_scoped3A_128, %dma_start3A_131, %dma_start3A_132] : memref<3x128x64xf32, #tpu.memory_space<vmem>> -> memref<1x128x64xf32, #tpu.memory_space<vmem>>
        %dma_start3A_134 = tpu.memref_squeeze %dma_start3A_133 : memref<1x128x64xf32, #tpu.memory_space<vmem>> -> memref<128x64xf32, #tpu.memory_space<vmem>>
        %dma_start3A_135 = arith.constant 0 : i32
        %dma_start3A_136 = tpu.memref_slice %arg7[%add3A_105, %run_scoped3A_129, %dma_start3A_135] : memref<81x2x128xi32, #tpu.memory_space<vmem>> -> memref<1x1x128xi32, #tpu.memory_space<vmem>>
        %dma_start3A_137 = tpu.memref_squeeze %dma_start3A_136 : memref<1x1x128xi32, #tpu.memory_space<vmem>> -> memref<128xi32, #tpu.memory_space<vmem>>
        %dma_start3A_138 = arith.constant 0 : i32
        %dma_start3A_139 = arith.constant 0 : i32
        %dma_start3A_140 = tpu.memref_slice %arg10[%dma_start3A_138, %dma_start3A_139] : memref<10240x64xf32, #tpu.memory_space<vmem_shared>> -> memref<10240x64xf32, #tpu.memory_space<vmem_shared>>
        tpu.enqueue_indirect_dma source(%dma_start3A_134 : memref<128x64xf32, #tpu.memory_space<vmem>>) target(%dma_start3A_140 : memref<10240x64xf32, #tpu.memory_space<vmem_shared>>) offsets(%dma_start3A_137 : memref<128xi32, #tpu.memory_space<vmem>>) semaphore(%run_scoped3A_130 : memref<!tpu.dma_semaphore, #tpu.memory_space<semaphore_mem>>) {add = true}
        %dma_wait3A_141 = arith.constant 0 : i32
        %dma_wait3A_142 = arith.constant 0 : i32
        %dma_wait3A_143 = tpu.memref_slice %arg8[%run_scoped3A_128, %dma_wait3A_141, %dma_wait3A_142] : memref<3x128x64xf32, #tpu.memory_space<vmem>> -> memref<1x128x64xf32, #tpu.memory_space<vmem>>
        %dma_wait3A_144 = tpu.memref_squeeze %dma_wait3A_143 : memref<1x128x64xf32, #tpu.memory_space<vmem>> -> memref<128x64xf32, #tpu.memory_space<vmem>>
        %dma_wait3A_145 = arith.constant 0 : i32
        %dma_wait3A_146 = tpu.memref_slice %arg7[%add3A_105, %run_scoped3A_129, %dma_wait3A_145] : memref<81x2x128xi32, #tpu.memory_space<vmem>> -> memref<1x1x128xi32, #tpu.memory_space<vmem>>
        %dma_wait3A_147 = tpu.memref_squeeze %dma_wait3A_146 : memref<1x1x128xi32, #tpu.memory_space<vmem>> -> memref<128xi32, #tpu.memory_space<vmem>>
        %dma_wait3A_148 = arith.constant 0 : i32
        %dma_wait3A_149 = arith.constant 0 : i32
        %dma_wait3A_150 = tpu.memref_slice %arg10[%dma_wait3A_148, %dma_wait3A_149] : memref<10240x64xf32, #tpu.memory_space<vmem_shared>> -> memref<10240x64xf32, #tpu.memory_space<vmem_shared>>
        tpu.wait_indirect_dma semaphore(%run_scoped3A_130 : memref<!tpu.dma_semaphore, #tpu.memory_space<semaphore_mem>>) src(%dma_wait3A_144 : memref<128x64xf32, #tpu.memory_space<vmem>>) dst(%dma_wait3A_150 : memref<10240x64xf32, #tpu.memory_space<vmem_shared>>)
        tpu.yield
      }) : () -> ()
    }
    %scan3A_49 = arith.constant 27 : i32
    %barrier3A_50 = arith.constant 0 : index
    tpu.barrier barrier_id(%barrier3A_50)
    "tpu.region"() ({
      %run_scoped3A = tpu.sem_alloc : memref<!tpu.dma_semaphore, #tpu.memory_space<semaphore_mem>>
      %dma_start3A_51 = arith.constant 0 : i32
      %dma_start3A_52 = tpu.memref_slice %arg6[%arg0, %mul3A_2, %dma_start3A_51] : memref<2x10240x64xf32, #tpu.memory_space<hbm>> -> memref<1x640x64xf32, #tpu.memory_space<hbm>>
      %dma_start3A_53 = tpu.memref_squeeze %dma_start3A_52 : memref<1x640x64xf32, #tpu.memory_space<hbm>> -> memref<640x64xf32, #tpu.memory_space<hbm>>
      %dma_start3A_54 = arith.constant 0 : i32
      %dma_start3A_55 = tpu.memref_slice %arg10[%mul3A_2, %dma_start3A_54] : memref<10240x64xf32, #tpu.memory_space<vmem_shared>> -> memref<640x64xf32, #tpu.memory_space<vmem_shared>>
      tpu.enqueue_dma source(%dma_start3A_55 : memref<640x64xf32, #tpu.memory_space<vmem_shared>>) target(%dma_start3A_53 : memref<640x64xf32, #tpu.memory_space<hbm>>) target_semaphore(%run_scoped3A : memref<!tpu.dma_semaphore, #tpu.memory_space<semaphore_mem>>)
      %dma_wait3A_56 = arith.constant 0 : i32
      %dma_wait3A_57 = tpu.memref_slice %arg6[%arg0, %mul3A_2, %dma_wait3A_56] : memref<2x10240x64xf32, #tpu.memory_space<hbm>> -> memref<1x640x64xf32, #tpu.memory_space<hbm>>
      %dma_wait3A_58 = tpu.memref_squeeze %dma_wait3A_57 : memref<1x640x64xf32, #tpu.memory_space<hbm>> -> memref<640x64xf32, #tpu.memory_space<hbm>>
      %dma_wait3A_59 = arith.constant 0 : i32
      %dma_wait3A_60 = tpu.memref_slice %arg10[%mul3A_2, %dma_wait3A_59] : memref<10240x64xf32, #tpu.memory_space<vmem_shared>> -> memref<640x64xf32, #tpu.memory_space<vmem_shared>>
      tpu.wait_dma2 semaphore(%run_scoped3A : memref<!tpu.dma_semaphore, #tpu.memory_space<semaphore_mem>>) src(%dma_wait3A_60 : memref<640x64xf32, #tpu.memory_space<vmem_shared>>) dst(%dma_wait3A_58 : memref<640x64xf32, #tpu.memory_space<hbm>>)
      tpu.yield
    }) : () -> ()
    return
  }
}

#map = affine_map<(d0, d1) -> (0, 0)>
#map1 = affine_map<(d0, d1) -> (0, 0, 0)>
module attributes {stable_mosaic.version = 14 : i64} {
  func.func @mp_k(%arg0: i32, %arg1: i32, %arg2: memref<10240x64xf32, #tpu.memory_space<hbm>>, %arg3: memref<2500x2x128xi32, #tpu.memory_space<hbm>>, %arg4: memref<162x2x128xi32, #tpu.memory_space<hbm>>, %arg5: memref<640x64xf32, #tpu.memory_space<hbm>>, %arg6: memref<2x10240x64xf32, #tpu.memory_space<hbm>>, %arg7: memref<81x2x128xi32, #tpu.memory_space<vmem>>, %arg8: memref<3x128x64xf32, #tpu.memory_space<vmem>>, %arg9: memref<10240x64xf32, #tpu.memory_space<vmem_shared>>, %arg10: memref<10240x64xf32, #tpu.memory_space<vmem_shared>>, %arg11: memref<!tpu.dma_semaphore, #tpu.memory_space<semaphore_mem>>, %arg12: memref<!tpu.dma_semaphore, #tpu.memory_space<semaphore_mem>>, %arg13: memref<!tpu.dma_semaphore, #tpu.memory_space<semaphore_mem>>) attributes {dimension_semantics = [#tpu.dimension_semantics<core_parallel>, #tpu.dimension_semantics<subcore_parallel>], iteration_bounds = array<i64: 2, 16>, scalar_prefetch = 0 : i64, scratch_operands = 7 : i64, tpu.core_type = #tpu.core_type<sc_vector_subcore>, window_params = [{transform_indices = #map}, {transform_indices = #map1}, {transform_indices = #map1}, {transform_indices = #map}, {transform_indices = #map1}]} {
    %mul3A = arith.constant 2 : i32
    %mul3A_0 = arith.muli %arg1, %mul3A : i32
    %add3A = arith.addi %mul3A_0, %arg0 : i32
    %mul3A_1 = arith.constant 640 : i32
    %mul3A_2 = arith.muli %arg1, %mul3A_1 : i32
    %dma_start3A = arith.constant 0 : i32
    %dma_start3A_3 = tpu.memref_slice %arg9[%mul3A_2, %dma_start3A] : memref<10240x64xf32, #tpu.memory_space<vmem_shared>> -> memref<640x64xf32, #tpu.memory_space<vmem_shared>>
    %dma_start3A_4 = arith.constant 0 : i32
    %dma_start3A_5 = tpu.memref_slice %arg2[%mul3A_2, %dma_start3A_4] : memref<10240x64xf32, #tpu.memory_space<hbm>> -> memref<640x64xf32, #tpu.memory_space<hbm>>
    tpu.enqueue_dma source(%dma_start3A_5 : memref<640x64xf32, #tpu.memory_space<hbm>>) target(%dma_start3A_3 : memref<640x64xf32, #tpu.memory_space<vmem_shared>>) target_semaphore(%arg12 : memref<!tpu.dma_semaphore, #tpu.memory_space<semaphore_mem>>)
    %dma_start3A_6 = arith.constant 0 : i32
    %dma_start3A_7 = tpu.memref_slice %arg10[%mul3A_2, %dma_start3A_6] : memref<10240x64xf32, #tpu.memory_space<vmem_shared>> -> memref<640x64xf32, #tpu.memory_space<vmem_shared>>
    tpu.enqueue_dma source(%arg5 : memref<640x64xf32, #tpu.memory_space<hbm>>) target(%dma_start3A_7 : memref<640x64xf32, #tpu.memory_space<vmem_shared>>) target_semaphore(%arg13 : memref<!tpu.dma_semaphore, #tpu.memory_space<semaphore_mem>>)
    %lt3A = arith.constant 30 : i32
    %lt3A_8 = arith.cmpi slt, %add3A, %lt3A : i32
    %convert_element_type3A = arith.extui %lt3A_8 : i1 to i32
    %cond3A = arith.constant 0 : i32
    %cond3A_9 = arith.cmpi ne, %convert_element_type3A, %cond3A : i32
    scf.if %cond3A_9 {
      %mul3A_51 = arith.constant 81 : i32
      %mul3A_52 = arith.muli %add3A, %mul3A_51 : i32
      %dma_start3A_53 = arith.constant 0 : i32
      %dma_start3A_54 = arith.constant 0 : i32
      %dma_start3A_55 = tpu.memref_slice %arg3[%mul3A_52, %dma_start3A_53, %dma_start3A_54] : memref<2500x2x128xi32, #tpu.memory_space<hbm>> -> memref<81x2x128xi32, #tpu.memory_space<hbm>>
      %dma_start3A_56 = arith.constant 0 : i32
      %dma_start3A_57 = arith.constant 0 : i32
      %dma_start3A_58 = tpu.memref_slice %arg3[%mul3A_52, %dma_start3A_56, %dma_start3A_57] : memref<2500x2x128xi32, #tpu.memory_space<hbm>> -> memref<81x2x128xi32, #tpu.memory_space<hbm>>
      tpu.enqueue_dma source(%dma_start3A_58 : memref<81x2x128xi32, #tpu.memory_space<hbm>>) target(%arg7 : memref<81x2x128xi32, #tpu.memory_space<vmem>>) target_semaphore(%arg11 : memref<!tpu.dma_semaphore, #tpu.memory_space<semaphore_mem>>)
      %dma_wait3A_59 = arith.constant 0 : i32
      %dma_wait3A_60 = arith.constant 0 : i32
      %dma_wait3A_61 = tpu.memref_slice %arg3[%mul3A_52, %dma_wait3A_59, %dma_wait3A_60] : memref<2500x2x128xi32, #tpu.memory_space<hbm>> -> memref<81x2x128xi32, #tpu.memory_space<hbm>>
      %dma_wait3A_62 = arith.constant 0 : i32
      %dma_wait3A_63 = arith.constant 0 : i32
      %dma_wait3A_64 = tpu.memref_slice %arg3[%mul3A_52, %dma_wait3A_62, %dma_wait3A_63] : memref<2500x2x128xi32, #tpu.memory_space<hbm>> -> memref<81x2x128xi32, #tpu.memory_space<hbm>>
      tpu.wait_dma2 semaphore(%arg11 : memref<!tpu.dma_semaphore, #tpu.memory_space<semaphore_mem>>) src(%dma_wait3A_64 : memref<81x2x128xi32, #tpu.memory_space<hbm>>) dst(%arg7 : memref<81x2x128xi32, #tpu.memory_space<vmem>>)
    } else {
    }
    %ge3A = arith.constant 30 : i32
    %ge3A_10 = arith.cmpi sge, %add3A, %ge3A : i32
    %convert_element_type3A_11 = arith.extui %ge3A_10 : i1 to i32
    %cond3A_12 = arith.constant 0 : i32
    %cond3A_13 = arith.cmpi ne, %convert_element_type3A_11, %cond3A_12 : i32
    scf.if %cond3A_13 {
      %sub3A = arith.constant 30 : i32
      %sub3A_51 = arith.subi %add3A, %sub3A : i32
      %mul3A_52 = arith.constant 81 : i32
      %mul3A_53 = arith.muli %sub3A_51, %mul3A_52 : i32
      %dma_start3A_54 = arith.constant 0 : i32
      %dma_start3A_55 = arith.constant 0 : i32
      %dma_start3A_56 = tpu.memref_slice %arg4[%mul3A_53, %dma_start3A_54, %dma_start3A_55] : memref<162x2x128xi32, #tpu.memory_space<hbm>> -> memref<81x2x128xi32, #tpu.memory_space<hbm>>
      %dma_start3A_57 = arith.constant 0 : i32
      %dma_start3A_58 = arith.constant 0 : i32
      %dma_start3A_59 = tpu.memref_slice %arg4[%mul3A_53, %dma_start3A_57, %dma_start3A_58] : memref<162x2x128xi32, #tpu.memory_space<hbm>> -> memref<81x2x128xi32, #tpu.memory_space<hbm>>
      tpu.enqueue_dma source(%dma_start3A_59 : memref<81x2x128xi32, #tpu.memory_space<hbm>>) target(%arg7 : memref<81x2x128xi32, #tpu.memory_space<vmem>>) target_semaphore(%arg11 : memref<!tpu.dma_semaphore, #tpu.memory_space<semaphore_mem>>)
      %dma_wait3A_60 = arith.constant 0 : i32
      %dma_wait3A_61 = arith.constant 0 : i32
      %dma_wait3A_62 = tpu.memref_slice %arg4[%mul3A_53, %dma_wait3A_60, %dma_wait3A_61] : memref<162x2x128xi32, #tpu.memory_space<hbm>> -> memref<81x2x128xi32, #tpu.memory_space<hbm>>
      %dma_wait3A_63 = arith.constant 0 : i32
      %dma_wait3A_64 = arith.constant 0 : i32
      %dma_wait3A_65 = tpu.memref_slice %arg4[%mul3A_53, %dma_wait3A_63, %dma_wait3A_64] : memref<162x2x128xi32, #tpu.memory_space<hbm>> -> memref<81x2x128xi32, #tpu.memory_space<hbm>>
      tpu.wait_dma2 semaphore(%arg11 : memref<!tpu.dma_semaphore, #tpu.memory_space<semaphore_mem>>) src(%dma_wait3A_65 : memref<81x2x128xi32, #tpu.memory_space<hbm>>) dst(%arg7 : memref<81x2x128xi32, #tpu.memory_space<vmem>>)
    } else {
    }
    %dma_wait3A = arith.constant 0 : i32
    %dma_wait3A_14 = tpu.memref_slice %arg9[%mul3A_2, %dma_wait3A] : memref<10240x64xf32, #tpu.memory_space<vmem_shared>> -> memref<640x64xf32, #tpu.memory_space<vmem_shared>>
    %dma_wait3A_15 = arith.constant 0 : i32
    %dma_wait3A_16 = tpu.memref_slice %arg2[%mul3A_2, %dma_wait3A_15] : memref<10240x64xf32, #tpu.memory_space<hbm>> -> memref<640x64xf32, #tpu.memory_space<hbm>>
    tpu.wait_dma2 semaphore(%arg12 : memref<!tpu.dma_semaphore, #tpu.memory_space<semaphore_mem>>) src(%dma_wait3A_16 : memref<640x64xf32, #tpu.memory_space<hbm>>) dst(%dma_wait3A_14 : memref<640x64xf32, #tpu.memory_space<vmem_shared>>)
    %dma_wait3A_17 = arith.constant 0 : i32
    %dma_wait3A_18 = tpu.memref_slice %arg10[%mul3A_2, %dma_wait3A_17] : memref<10240x64xf32, #tpu.memory_space<vmem_shared>> -> memref<640x64xf32, #tpu.memory_space<vmem_shared>>
    tpu.wait_dma2 semaphore(%arg13 : memref<!tpu.dma_semaphore, #tpu.memory_space<semaphore_mem>>) src(%arg5 : memref<640x64xf32, #tpu.memory_space<hbm>>) dst(%dma_wait3A_18 : memref<640x64xf32, #tpu.memory_space<vmem_shared>>)
    %barrier3A = arith.constant 0 : index
    tpu.barrier barrier_id(%barrier3A)
    %dma_start3A_19 = arith.constant 0 : i32
    %dma_start3A_20 = arith.constant 0 : i32
    %dma_start3A_21 = arith.constant 0 : i32
    %dma_start3A_22 = arith.constant 0 : i32
    %dma_start3A_23 = arith.constant 0 : i32
    %dma_start3A_24 = tpu.memref_slice %arg8[%dma_start3A_21, %dma_start3A_22, %dma_start3A_23] : memref<3x128x64xf32, #tpu.memory_space<vmem>> -> memref<1x128x64xf32, #tpu.memory_space<vmem>>
    %dma_start3A_25 = tpu.memref_squeeze %dma_start3A_24 : memref<1x128x64xf32, #tpu.memory_space<vmem>> -> memref<128x64xf32, #tpu.memory_space<vmem>>
    %dma_start3A_26 = arith.constant 0 : i32
    %dma_start3A_27 = tpu.memref_slice %arg7[%dma_start3A_19, %dma_start3A_20, %dma_start3A_26] : memref<81x2x128xi32, #tpu.memory_space<vmem>> -> memref<1x1x128xi32, #tpu.memory_space<vmem>>
    %dma_start3A_28 = tpu.memref_squeeze %dma_start3A_27 : memref<1x1x128xi32, #tpu.memory_space<vmem>> -> memref<128xi32, #tpu.memory_space<vmem>>
    %dma_start3A_29 = arith.constant 0 : i32
    %dma_start3A_30 = arith.constant 0 : i32
    %dma_start3A_31 = tpu.memref_slice %arg9[%dma_start3A_29, %dma_start3A_30] : memref<10240x64xf32, #tpu.memory_space<vmem_shared>> -> memref<10240x64xf32, #tpu.memory_space<vmem_shared>>
    tpu.enqueue_indirect_dma source(%dma_start3A_31 : memref<10240x64xf32, #tpu.memory_space<vmem_shared>>) target(%dma_start3A_25 : memref<128x64xf32, #tpu.memory_space<vmem>>) offsets(%dma_start3A_28 : memref<128xi32, #tpu.memory_space<vmem>>) semaphore(%arg11 : memref<!tpu.dma_semaphore, #tpu.memory_space<semaphore_mem>>)
    %dma_start3A_32 = arith.constant 1 : i32
    %dma_start3A_33 = arith.constant 0 : i32
    %dma_start3A_34 = arith.constant 1 : i32
    %dma_start3A_35 = arith.constant 0 : i32
    %dma_start3A_36 = arith.constant 0 : i32
    %dma_start3A_37 = tpu.memref_slice %arg8[%dma_start3A_34, %dma_start3A_35, %dma_start3A_36] : memref<3x128x64xf32, #tpu.memory_space<vmem>> -> memref<1x128x64xf32, #tpu.memory_space<vmem>>
    %dma_start3A_38 = tpu.memref_squeeze %dma_start3A_37 : memref<1x128x64xf32, #tpu.memory_space<vmem>> -> memref<128x64xf32, #tpu.memory_space<vmem>>
    %dma_start3A_39 = arith.constant 0 : i32
    %dma_start3A_40 = tpu.memref_slice %arg7[%dma_start3A_32, %dma_start3A_33, %dma_start3A_39] : memref<81x2x128xi32, #tpu.memory_space<vmem>> -> memref<1x1x128xi32, #tpu.memory_space<vmem>>
    %dma_start3A_41 = tpu.memref_squeeze %dma_start3A_40 : memref<1x1x128xi32, #tpu.memory_space<vmem>> -> memref<128xi32, #tpu.memory_space<vmem>>
    %dma_start3A_42 = arith.constant 0 : i32
    %dma_start3A_43 = arith.constant 0 : i32
    %dma_start3A_44 = tpu.memref_slice %arg9[%dma_start3A_42, %dma_start3A_43] : memref<10240x64xf32, #tpu.memory_space<vmem_shared>> -> memref<10240x64xf32, #tpu.memory_space<vmem_shared>>
    tpu.enqueue_indirect_dma source(%dma_start3A_44 : memref<10240x64xf32, #tpu.memory_space<vmem_shared>>) target(%dma_start3A_38 : memref<128x64xf32, #tpu.memory_space<vmem>>) offsets(%dma_start3A_41 : memref<128xi32, #tpu.memory_space<vmem>>) semaphore(%arg12 : memref<!tpu.dma_semaphore, #tpu.memory_space<semaphore_mem>>)
    %scan3A = arith.constant 0 : i32
    %scan3A_45 = arith.constant 0 : i32
    %scan3A_46 = arith.constant 27 : i32
    %scan3A_47 = arith.addi %scan3A_45, %scan3A_46 : i32
    %scan3A_48 = arith.constant 1 : i32
    scf.for %scan3A_51 = %scan3A_45 to %scan3A_47 step %scan3A_48  : i32 {
      %mul3A_52 = arith.constant 3 : i32
      %mul3A_53 = arith.muli %scan3A_51, %mul3A_52 : i32
      %add3A_54 = arith.constant 0 : i32
      %add3A_55 = arith.addi %mul3A_53, %add3A_54 : i32
      %add3A_56 = arith.constant 3 : i32
      %add3A_57 = arith.addi %add3A_55, %add3A_56 : i32
      %sub3A = arith.constant 1 : i32
      %sub3A_58 = arith.subi %add3A_57, %sub3A : i32
      %lt3A_59 = arith.constant 81 : i32
      %lt3A_60 = arith.cmpi slt, %sub3A_58, %lt3A_59 : i32
      %convert_element_type3A_61 = arith.extui %lt3A_60 : i1 to i32
      %cond3A_62 = arith.constant 0 : i32
      %cond3A_63 = arith.cmpi ne, %convert_element_type3A_61, %cond3A_62 : i32
      scf.if %cond3A_63 {
        %dma_start3A_130 = arith.constant 0 : i32
        %dma_start3A_131 = arith.constant 2 : i32
        %dma_start3A_132 = arith.constant 0 : i32
        %dma_start3A_133 = arith.constant 0 : i32
        %dma_start3A_134 = tpu.memref_slice %arg8[%dma_start3A_131, %dma_start3A_132, %dma_start3A_133] : memref<3x128x64xf32, #tpu.memory_space<vmem>> -> memref<1x128x64xf32, #tpu.memory_space<vmem>>
        %dma_start3A_135 = tpu.memref_squeeze %dma_start3A_134 : memref<1x128x64xf32, #tpu.memory_space<vmem>> -> memref<128x64xf32, #tpu.memory_space<vmem>>
        %dma_start3A_136 = arith.constant 0 : i32
        %dma_start3A_137 = tpu.memref_slice %arg7[%sub3A_58, %dma_start3A_130, %dma_start3A_136] : memref<81x2x128xi32, #tpu.memory_space<vmem>> -> memref<1x1x128xi32, #tpu.memory_space<vmem>>
        %dma_start3A_138 = tpu.memref_squeeze %dma_start3A_137 : memref<1x1x128xi32, #tpu.memory_space<vmem>> -> memref<128xi32, #tpu.memory_space<vmem>>
        %dma_start3A_139 = arith.constant 0 : i32
        %dma_start3A_140 = arith.constant 0 : i32
        %dma_start3A_141 = tpu.memref_slice %arg9[%dma_start3A_139, %dma_start3A_140] : memref<10240x64xf32, #tpu.memory_space<vmem_shared>> -> memref<10240x64xf32, #tpu.memory_space<vmem_shared>>
        tpu.enqueue_indirect_dma source(%dma_start3A_141 : memref<10240x64xf32, #tpu.memory_space<vmem_shared>>) target(%dma_start3A_135 : memref<128x64xf32, #tpu.memory_space<vmem>>) offsets(%dma_start3A_138 : memref<128xi32, #tpu.memory_space<vmem>>) semaphore(%arg13 : memref<!tpu.dma_semaphore, #tpu.memory_space<semaphore_mem>>)
      } else {
      }
      %dma_wait3A_64 = arith.constant 0 : i32
      %dma_wait3A_65 = arith.constant 0 : i32
      %dma_wait3A_66 = arith.constant 0 : i32
      %dma_wait3A_67 = arith.constant 0 : i32
      %dma_wait3A_68 = arith.constant 0 : i32
      %dma_wait3A_69 = tpu.memref_slice %arg8[%dma_wait3A_66, %dma_wait3A_67, %dma_wait3A_68] : memref<3x128x64xf32, #tpu.memory_space<vmem>> -> memref<1x128x64xf32, #tpu.memory_space<vmem>>
      %dma_wait3A_70 = tpu.memref_squeeze %dma_wait3A_69 : memref<1x128x64xf32, #tpu.memory_space<vmem>> -> memref<128x64xf32, #tpu.memory_space<vmem>>
      %dma_wait3A_71 = arith.constant 0 : i32
      %dma_wait3A_72 = tpu.memref_slice %arg7[%dma_wait3A_64, %dma_wait3A_65, %dma_wait3A_71] : memref<81x2x128xi32, #tpu.memory_space<vmem>> -> memref<1x1x128xi32, #tpu.memory_space<vmem>>
      %dma_wait3A_73 = tpu.memref_squeeze %dma_wait3A_72 : memref<1x1x128xi32, #tpu.memory_space<vmem>> -> memref<128xi32, #tpu.memory_space<vmem>>
      %dma_wait3A_74 = arith.constant 0 : i32
      %dma_wait3A_75 = arith.constant 0 : i32
      %dma_wait3A_76 = tpu.memref_slice %arg9[%dma_wait3A_74, %dma_wait3A_75] : memref<10240x64xf32, #tpu.memory_space<vmem_shared>> -> memref<10240x64xf32, #tpu.memory_space<vmem_shared>>
      tpu.wait_indirect_dma semaphore(%arg11 : memref<!tpu.dma_semaphore, #tpu.memory_space<semaphore_mem>>) src(%dma_wait3A_76 : memref<10240x64xf32, #tpu.memory_space<vmem_shared>>) dst(%dma_wait3A_70 : memref<128x64xf32, #tpu.memory_space<vmem>>)
      %run_scoped3A = arith.constant 0 : i32
      %run_scoped3A_77 = arith.constant 1 : i32
      "tpu.region"() ({
        %run_scoped3A_130 = tpu.sem_alloc : memref<!tpu.dma_semaphore, #tpu.memory_space<semaphore_mem>>
        %dma_start3A_131 = arith.constant 0 : i32
        %dma_start3A_132 = arith.constant 0 : i32
        %dma_start3A_133 = tpu.memref_slice %arg8[%run_scoped3A, %dma_start3A_131, %dma_start3A_132] : memref<3x128x64xf32, #tpu.memory_space<vmem>> -> memref<1x128x64xf32, #tpu.memory_space<vmem>>
        %dma_start3A_134 = tpu.memref_squeeze %dma_start3A_133 : memref<1x128x64xf32, #tpu.memory_space<vmem>> -> memref<128x64xf32, #tpu.memory_space<vmem>>
        %dma_start3A_135 = arith.constant 0 : i32
        %dma_start3A_136 = tpu.memref_slice %arg7[%add3A_55, %run_scoped3A_77, %dma_start3A_135] : memref<81x2x128xi32, #tpu.memory_space<vmem>> -> memref<1x1x128xi32, #tpu.memory_space<vmem>>
        %dma_start3A_137 = tpu.memref_squeeze %dma_start3A_136 : memref<1x1x128xi32, #tpu.memory_space<vmem>> -> memref<128xi32, #tpu.memory_space<vmem>>
        %dma_start3A_138 = arith.constant 0 : i32
        %dma_start3A_139 = arith.constant 0 : i32
        %dma_start3A_140 = tpu.memref_slice %arg10[%dma_start3A_138, %dma_start3A_139] : memref<10240x64xf32, #tpu.memory_space<vmem_shared>> -> memref<10240x64xf32, #tpu.memory_space<vmem_shared>>
        tpu.enqueue_indirect_dma source(%dma_start3A_134 : memref<128x64xf32, #tpu.memory_space<vmem>>) target(%dma_start3A_140 : memref<10240x64xf32, #tpu.memory_space<vmem_shared>>) offsets(%dma_start3A_137 : memref<128xi32, #tpu.memory_space<vmem>>) semaphore(%run_scoped3A_130 : memref<!tpu.dma_semaphore, #tpu.memory_space<semaphore_mem>>) {add = true}
        %dma_wait3A_141 = arith.constant 0 : i32
        %dma_wait3A_142 = arith.constant 0 : i32
        %dma_wait3A_143 = tpu.memref_slice %arg8[%run_scoped3A, %dma_wait3A_141, %dma_wait3A_142] : memref<3x128x64xf32, #tpu.memory_space<vmem>> -> memref<1x128x64xf32, #tpu.memory_space<vmem>>
        %dma_wait3A_144 = tpu.memref_squeeze %dma_wait3A_143 : memref<1x128x64xf32, #tpu.memory_space<vmem>> -> memref<128x64xf32, #tpu.memory_space<vmem>>
        %dma_wait3A_145 = arith.constant 0 : i32
        %dma_wait3A_146 = tpu.memref_slice %arg7[%add3A_55, %run_scoped3A_77, %dma_wait3A_145] : memref<81x2x128xi32, #tpu.memory_space<vmem>> -> memref<1x1x128xi32, #tpu.memory_space<vmem>>
        %dma_wait3A_147 = tpu.memref_squeeze %dma_wait3A_146 : memref<1x1x128xi32, #tpu.memory_space<vmem>> -> memref<128xi32, #tpu.memory_space<vmem>>
        %dma_wait3A_148 = arith.constant 0 : i32
        %dma_wait3A_149 = arith.constant 0 : i32
        %dma_wait3A_150 = tpu.memref_slice %arg10[%dma_wait3A_148, %dma_wait3A_149] : memref<10240x64xf32, #tpu.memory_space<vmem_shared>> -> memref<10240x64xf32, #tpu.memory_space<vmem_shared>>
        tpu.wait_indirect_dma semaphore(%run_scoped3A_130 : memref<!tpu.dma_semaphore, #tpu.memory_space<semaphore_mem>>) src(%dma_wait3A_144 : memref<128x64xf32, #tpu.memory_space<vmem>>) dst(%dma_wait3A_150 : memref<10240x64xf32, #tpu.memory_space<vmem_shared>>)
        tpu.yield
      }) : () -> ()
      %add3A_78 = arith.constant 1 : i32
      %add3A_79 = arith.addi %mul3A_53, %add3A_78 : i32
      %add3A_80 = arith.constant 3 : i32
      %add3A_81 = arith.addi %add3A_79, %add3A_80 : i32
      %sub3A_82 = arith.constant 1 : i32
      %sub3A_83 = arith.subi %add3A_81, %sub3A_82 : i32
      %lt3A_84 = arith.constant 81 : i32
      %lt3A_85 = arith.cmpi slt, %sub3A_83, %lt3A_84 : i32
      %convert_element_type3A_86 = arith.extui %lt3A_85 : i1 to i32
      %cond3A_87 = arith.constant 0 : i32
      %cond3A_88 = arith.cmpi ne, %convert_element_type3A_86, %cond3A_87 : i32
      scf.if %cond3A_88 {
        %dma_start3A_130 = arith.constant 0 : i32
        %dma_start3A_131 = arith.constant 0 : i32
        %dma_start3A_132 = arith.constant 0 : i32
        %dma_start3A_133 = arith.constant 0 : i32
        %dma_start3A_134 = tpu.memref_slice %arg8[%dma_start3A_131, %dma_start3A_132, %dma_start3A_133] : memref<3x128x64xf32, #tpu.memory_space<vmem>> -> memref<1x128x64xf32, #tpu.memory_space<vmem>>
        %dma_start3A_135 = tpu.memref_squeeze %dma_start3A_134 : memref<1x128x64xf32, #tpu.memory_space<vmem>> -> memref<128x64xf32, #tpu.memory_space<vmem>>
        %dma_start3A_136 = arith.constant 0 : i32
        %dma_start3A_137 = tpu.memref_slice %arg7[%sub3A_83, %dma_start3A_130, %dma_start3A_136] : memref<81x2x128xi32, #tpu.memory_space<vmem>> -> memref<1x1x128xi32, #tpu.memory_space<vmem>>
        %dma_start3A_138 = tpu.memref_squeeze %dma_start3A_137 : memref<1x1x128xi32, #tpu.memory_space<vmem>> -> memref<128xi32, #tpu.memory_space<vmem>>
        %dma_start3A_139 = arith.constant 0 : i32
        %dma_start3A_140 = arith.constant 0 : i32
        %dma_start3A_141 = tpu.memref_slice %arg9[%dma_start3A_139, %dma_start3A_140] : memref<10240x64xf32, #tpu.memory_space<vmem_shared>> -> memref<10240x64xf32, #tpu.memory_space<vmem_shared>>
        tpu.enqueue_indirect_dma source(%dma_start3A_141 : memref<10240x64xf32, #tpu.memory_space<vmem_shared>>) target(%dma_start3A_135 : memref<128x64xf32, #tpu.memory_space<vmem>>) offsets(%dma_start3A_138 : memref<128xi32, #tpu.memory_space<vmem>>) semaphore(%arg11 : memref<!tpu.dma_semaphore, #tpu.memory_space<semaphore_mem>>)
      } else {
      }
      %dma_wait3A_89 = arith.constant 0 : i32
      %dma_wait3A_90 = arith.constant 0 : i32
      %dma_wait3A_91 = arith.constant 1 : i32
      %dma_wait3A_92 = arith.constant 0 : i32
      %dma_wait3A_93 = arith.constant 0 : i32
      %dma_wait3A_94 = tpu.memref_slice %arg8[%dma_wait3A_91, %dma_wait3A_92, %dma_wait3A_93] : memref<3x128x64xf32, #tpu.memory_space<vmem>> -> memref<1x128x64xf32, #tpu.memory_space<vmem>>
      %dma_wait3A_95 = tpu.memref_squeeze %dma_wait3A_94 : memref<1x128x64xf32, #tpu.memory_space<vmem>> -> memref<128x64xf32, #tpu.memory_space<vmem>>
      %dma_wait3A_96 = arith.constant 0 : i32
      %dma_wait3A_97 = tpu.memref_slice %arg7[%dma_wait3A_89, %dma_wait3A_90, %dma_wait3A_96] : memref<81x2x128xi32, #tpu.memory_space<vmem>> -> memref<1x1x128xi32, #tpu.memory_space<vmem>>
      %dma_wait3A_98 = tpu.memref_squeeze %dma_wait3A_97 : memref<1x1x128xi32, #tpu.memory_space<vmem>> -> memref<128xi32, #tpu.memory_space<vmem>>
      %dma_wait3A_99 = arith.constant 0 : i32
      %dma_wait3A_100 = arith.constant 0 : i32
      %dma_wait3A_101 = tpu.memref_slice %arg9[%dma_wait3A_99, %dma_wait3A_100] : memref<10240x64xf32, #tpu.memory_space<vmem_shared>> -> memref<10240x64xf32, #tpu.memory_space<vmem_shared>>
      tpu.wait_indirect_dma semaphore(%arg12 : memref<!tpu.dma_semaphore, #tpu.memory_space<semaphore_mem>>) src(%dma_wait3A_101 : memref<10240x64xf32, #tpu.memory_space<vmem_shared>>) dst(%dma_wait3A_95 : memref<128x64xf32, #tpu.memory_space<vmem>>)
      %run_scoped3A_102 = arith.constant 1 : i32
      %run_scoped3A_103 = arith.constant 1 : i32
      "tpu.region"() ({
        %run_scoped3A_130 = tpu.sem_alloc : memref<!tpu.dma_semaphore, #tpu.memory_space<semaphore_mem>>
        %dma_start3A_131 = arith.constant 0 : i32
        %dma_start3A_132 = arith.constant 0 : i32
        %dma_start3A_133 = tpu.memref_slice %arg8[%run_scoped3A_102, %dma_start3A_131, %dma_start3A_132] : memref<3x128x64xf32, #tpu.memory_space<vmem>> -> memref<1x128x64xf32, #tpu.memory_space<vmem>>
        %dma_start3A_134 = tpu.memref_squeeze %dma_start3A_133 : memref<1x128x64xf32, #tpu.memory_space<vmem>> -> memref<128x64xf32, #tpu.memory_space<vmem>>
        %dma_start3A_135 = arith.constant 0 : i32
        %dma_start3A_136 = tpu.memref_slice %arg7[%add3A_79, %run_scoped3A_103, %dma_start3A_135] : memref<81x2x128xi32, #tpu.memory_space<vmem>> -> memref<1x1x128xi32, #tpu.memory_space<vmem>>
        %dma_start3A_137 = tpu.memref_squeeze %dma_start3A_136 : memref<1x1x128xi32, #tpu.memory_space<vmem>> -> memref<128xi32, #tpu.memory_space<vmem>>
        %dma_start3A_138 = arith.constant 0 : i32
        %dma_start3A_139 = arith.constant 0 : i32
        %dma_start3A_140 = tpu.memref_slice %arg10[%dma_start3A_138, %dma_start3A_139] : memref<10240x64xf32, #tpu.memory_space<vmem_shared>> -> memref<10240x64xf32, #tpu.memory_space<vmem_shared>>
        tpu.enqueue_indirect_dma source(%dma_start3A_134 : memref<128x64xf32, #tpu.memory_space<vmem>>) target(%dma_start3A_140 : memref<10240x64xf32, #tpu.memory_space<vmem_shared>>) offsets(%dma_start3A_137 : memref<128xi32, #tpu.memory_space<vmem>>) semaphore(%run_scoped3A_130 : memref<!tpu.dma_semaphore, #tpu.memory_space<semaphore_mem>>) {add = true}
        %dma_wait3A_141 = arith.constant 0 : i32
        %dma_wait3A_142 = arith.constant 0 : i32
        %dma_wait3A_143 = tpu.memref_slice %arg8[%run_scoped3A_102, %dma_wait3A_141, %dma_wait3A_142] : memref<3x128x64xf32, #tpu.memory_space<vmem>> -> memref<1x128x64xf32, #tpu.memory_space<vmem>>
        %dma_wait3A_144 = tpu.memref_squeeze %dma_wait3A_143 : memref<1x128x64xf32, #tpu.memory_space<vmem>> -> memref<128x64xf32, #tpu.memory_space<vmem>>
        %dma_wait3A_145 = arith.constant 0 : i32
        %dma_wait3A_146 = tpu.memref_slice %arg7[%add3A_79, %run_scoped3A_103, %dma_wait3A_145] : memref<81x2x128xi32, #tpu.memory_space<vmem>> -> memref<1x1x128xi32, #tpu.memory_space<vmem>>
        %dma_wait3A_147 = tpu.memref_squeeze %dma_wait3A_146 : memref<1x1x128xi32, #tpu.memory_space<vmem>> -> memref<128xi32, #tpu.memory_space<vmem>>
        %dma_wait3A_148 = arith.constant 0 : i32
        %dma_wait3A_149 = arith.constant 0 : i32
        %dma_wait3A_150 = tpu.memref_slice %arg10[%dma_wait3A_148, %dma_wait3A_149] : memref<10240x64xf32, #tpu.memory_space<vmem_shared>> -> memref<10240x64xf32, #tpu.memory_space<vmem_shared>>
        tpu.wait_indirect_dma semaphore(%run_scoped3A_130 : memref<!tpu.dma_semaphore, #tpu.memory_space<semaphore_mem>>) src(%dma_wait3A_144 : memref<128x64xf32, #tpu.memory_space<vmem>>) dst(%dma_wait3A_150 : memref<10240x64xf32, #tpu.memory_space<vmem_shared>>)
        tpu.yield
      }) : () -> ()
      %add3A_104 = arith.constant 2 : i32
      %add3A_105 = arith.addi %mul3A_53, %add3A_104 : i32
      %add3A_106 = arith.constant 3 : i32
      %add3A_107 = arith.addi %add3A_105, %add3A_106 : i32
      %sub3A_108 = arith.constant 1 : i32
      %sub3A_109 = arith.subi %add3A_107, %sub3A_108 : i32
      %lt3A_110 = arith.constant 81 : i32
      %lt3A_111 = arith.cmpi slt, %sub3A_109, %lt3A_110 : i32
      %convert_element_type3A_112 = arith.extui %lt3A_111 : i1 to i32
      %cond3A_113 = arith.constant 0 : i32
      %cond3A_114 = arith.cmpi ne, %convert_element_type3A_112, %cond3A_113 : i32
      scf.if %cond3A_114 {
        %dma_start3A_130 = arith.constant 0 : i32
        %dma_start3A_131 = arith.constant 1 : i32
        %dma_start3A_132 = arith.constant 0 : i32
        %dma_start3A_133 = arith.constant 0 : i32
        %dma_start3A_134 = tpu.memref_slice %arg8[%dma_start3A_131, %dma_start3A_132, %dma_start3A_133] : memref<3x128x64xf32, #tpu.memory_space<vmem>> -> memref<1x128x64xf32, #tpu.memory_space<vmem>>
        %dma_start3A_135 = tpu.memref_squeeze %dma_start3A_134 : memref<1x128x64xf32, #tpu.memory_space<vmem>> -> memref<128x64xf32, #tpu.memory_space<vmem>>
        %dma_start3A_136 = arith.constant 0 : i32
        %dma_start3A_137 = tpu.memref_slice %arg7[%sub3A_109, %dma_start3A_130, %dma_start3A_136] : memref<81x2x128xi32, #tpu.memory_space<vmem>> -> memref<1x1x128xi32, #tpu.memory_space<vmem>>
        %dma_start3A_138 = tpu.memref_squeeze %dma_start3A_137 : memref<1x1x128xi32, #tpu.memory_space<vmem>> -> memref<128xi32, #tpu.memory_space<vmem>>
        %dma_start3A_139 = arith.constant 0 : i32
        %dma_start3A_140 = arith.constant 0 : i32
        %dma_start3A_141 = tpu.memref_slice %arg9[%dma_start3A_139, %dma_start3A_140] : memref<10240x64xf32, #tpu.memory_space<vmem_shared>> -> memref<10240x64xf32, #tpu.memory_space<vmem_shared>>
        tpu.enqueue_indirect_dma source(%dma_start3A_141 : memref<10240x64xf32, #tpu.memory_space<vmem_shared>>) target(%dma_start3A_135 : memref<128x64xf32, #tpu.memory_space<vmem>>) offsets(%dma_start3A_138 : memref<128xi32, #tpu.memory_space<vmem>>) semaphore(%arg12 : memref<!tpu.dma_semaphore, #tpu.memory_space<semaphore_mem>>)
      } else {
      }
      %dma_wait3A_115 = arith.constant 0 : i32
      %dma_wait3A_116 = arith.constant 0 : i32
      %dma_wait3A_117 = arith.constant 2 : i32
      %dma_wait3A_118 = arith.constant 0 : i32
      %dma_wait3A_119 = arith.constant 0 : i32
      %dma_wait3A_120 = tpu.memref_slice %arg8[%dma_wait3A_117, %dma_wait3A_118, %dma_wait3A_119] : memref<3x128x64xf32, #tpu.memory_space<vmem>> -> memref<1x128x64xf32, #tpu.memory_space<vmem>>
      %dma_wait3A_121 = tpu.memref_squeeze %dma_wait3A_120 : memref<1x128x64xf32, #tpu.memory_space<vmem>> -> memref<128x64xf32, #tpu.memory_space<vmem>>
      %dma_wait3A_122 = arith.constant 0 : i32
      %dma_wait3A_123 = tpu.memref_slice %arg7[%dma_wait3A_115, %dma_wait3A_116, %dma_wait3A_122] : memref<81x2x128xi32, #tpu.memory_space<vmem>> -> memref<1x1x128xi32, #tpu.memory_space<vmem>>
      %dma_wait3A_124 = tpu.memref_squeeze %dma_wait3A_123 : memref<1x1x128xi32, #tpu.memory_space<vmem>> -> memref<128xi32, #tpu.memory_space<vmem>>
      %dma_wait3A_125 = arith.constant 0 : i32
      %dma_wait3A_126 = arith.constant 0 : i32
      %dma_wait3A_127 = tpu.memref_slice %arg9[%dma_wait3A_125, %dma_wait3A_126] : memref<10240x64xf32, #tpu.memory_space<vmem_shared>> -> memref<10240x64xf32, #tpu.memory_space<vmem_shared>>
      tpu.wait_indirect_dma semaphore(%arg13 : memref<!tpu.dma_semaphore, #tpu.memory_space<semaphore_mem>>) src(%dma_wait3A_127 : memref<10240x64xf32, #tpu.memory_space<vmem_shared>>) dst(%dma_wait3A_121 : memref<128x64xf32, #tpu.memory_space<vmem>>)
      %run_scoped3A_128 = arith.constant 2 : i32
      %run_scoped3A_129 = arith.constant 1 : i32
      "tpu.region"() ({
        %run_scoped3A_130 = tpu.sem_alloc : memref<!tpu.dma_semaphore, #tpu.memory_space<semaphore_mem>>
        %dma_start3A_131 = arith.constant 0 : i32
        %dma_start3A_132 = arith.constant 0 : i32
        %dma_start3A_133 = tpu.memref_slice %arg8[%run_scoped3A_128, %dma_start3A_131, %dma_start3A_132] : memref<3x128x64xf32, #tpu.memory_space<vmem>> -> memref<1x128x64xf32, #tpu.memory_space<vmem>>
        %dma_start3A_134 = tpu.memref_squeeze %dma_start3A_133 : memref<1x128x64xf32, #tpu.memory_space<vmem>> -> memref<128x64xf32, #tpu.memory_space<vmem>>
        %dma_start3A_135 = arith.constant 0 : i32
        %dma_start3A_136 = tpu.memref_slice %arg7[%add3A_105, %run_scoped3A_129, %dma_start3A_135] : memref<81x2x128xi32, #tpu.memory_space<vmem>> -> memref<1x1x128xi32, #tpu.memory_space<vmem>>
        %dma_start3A_137 = tpu.memref_squeeze %dma_start3A_136 : memref<1x1x128xi32, #tpu.memory_space<vmem>> -> memref<128xi32, #tpu.memory_space<vmem>>
        %dma_start3A_138 = arith.constant 0 : i32
        %dma_start3A_139 = arith.constant 0 : i32
        %dma_start3A_140 = tpu.memref_slice %arg10[%dma_start3A_138, %dma_start3A_139] : memref<10240x64xf32, #tpu.memory_space<vmem_shared>> -> memref<10240x64xf32, #tpu.memory_space<vmem_shared>>
        tpu.enqueue_indirect_dma source(%dma_start3A_134 : memref<128x64xf32, #tpu.memory_space<vmem>>) target(%dma_start3A_140 : memref<10240x64xf32, #tpu.memory_space<vmem_shared>>) offsets(%dma_start3A_137 : memref<128xi32, #tpu.memory_space<vmem>>) semaphore(%run_scoped3A_130 : memref<!tpu.dma_semaphore, #tpu.memory_space<semaphore_mem>>) {add = true}
        %dma_wait3A_141 = arith.constant 0 : i32
        %dma_wait3A_142 = arith.constant 0 : i32
        %dma_wait3A_143 = tpu.memref_slice %arg8[%run_scoped3A_128, %dma_wait3A_141, %dma_wait3A_142] : memref<3x128x64xf32, #tpu.memory_space<vmem>> -> memref<1x128x64xf32, #tpu.memory_space<vmem>>
        %dma_wait3A_144 = tpu.memref_squeeze %dma_wait3A_143 : memref<1x128x64xf32, #tpu.memory_space<vmem>> -> memref<128x64xf32, #tpu.memory_space<vmem>>
        %dma_wait3A_145 = arith.constant 0 : i32
        %dma_wait3A_146 = tpu.memref_slice %arg7[%add3A_105, %run_scoped3A_129, %dma_wait3A_145] : memref<81x2x128xi32, #tpu.memory_space<vmem>> -> memref<1x1x128xi32, #tpu.memory_space<vmem>>
        %dma_wait3A_147 = tpu.memref_squeeze %dma_wait3A_146 : memref<1x1x128xi32, #tpu.memory_space<vmem>> -> memref<128xi32, #tpu.memory_space<vmem>>
        %dma_wait3A_148 = arith.constant 0 : i32
        %dma_wait3A_149 = arith.constant 0 : i32
        %dma_wait3A_150 = tpu.memref_slice %arg10[%dma_wait3A_148, %dma_wait3A_149] : memref<10240x64xf32, #tpu.memory_space<vmem_shared>> -> memref<10240x64xf32, #tpu.memory_space<vmem_shared>>
        tpu.wait_indirect_dma semaphore(%run_scoped3A_130 : memref<!tpu.dma_semaphore, #tpu.memory_space<semaphore_mem>>) src(%dma_wait3A_144 : memref<128x64xf32, #tpu.memory_space<vmem>>) dst(%dma_wait3A_150 : memref<10240x64xf32, #tpu.memory_space<vmem_shared>>)
        tpu.yield
      }) : () -> ()
    }
    %scan3A_49 = arith.constant 27 : i32
    %barrier3A_50 = arith.constant 0 : index
    tpu.barrier barrier_id(%barrier3A_50)
    "tpu.region"() ({
      %run_scoped3A = tpu.sem_alloc : memref<!tpu.dma_semaphore, #tpu.memory_space<semaphore_mem>>
      %dma_start3A_51 = arith.constant 0 : i32
      %dma_start3A_52 = tpu.memref_slice %arg6[%arg0, %mul3A_2, %dma_start3A_51] : memref<2x10240x64xf32, #tpu.memory_space<hbm>> -> memref<1x640x64xf32, #tpu.memory_space<hbm>>
      %dma_start3A_53 = tpu.memref_squeeze %dma_start3A_52 : memref<1x640x64xf32, #tpu.memory_space<hbm>> -> memref<640x64xf32, #tpu.memory_space<hbm>>
      %dma_start3A_54 = arith.constant 0 : i32
      %dma_start3A_55 = tpu.memref_slice %arg10[%mul3A_2, %dma_start3A_54] : memref<10240x64xf32, #tpu.memory_space<vmem_shared>> -> memref<640x64xf32, #tpu.memory_space<vmem_shared>>
      tpu.enqueue_dma source(%dma_start3A_55 : memref<640x64xf32, #tpu.memory_space<vmem_shared>>) target(%dma_start3A_53 : memref<640x64xf32, #tpu.memory_space<hbm>>) target_semaphore(%run_scoped3A : memref<!tpu.dma_semaphore, #tpu.memory_space<semaphore_mem>>)
      %dma_wait3A_56 = arith.constant 0 : i32
      %dma_wait3A_57 = tpu.memref_slice %arg6[%arg0, %mul3A_2, %dma_wait3A_56] : memref<2x10240x64xf32, #tpu.memory_space<hbm>> -> memref<1x640x64xf32, #tpu.memory_space<hbm>>
      %dma_wait3A_58 = tpu.memref_squeeze %dma_wait3A_57 : memref<1x640x64xf32, #tpu.memory_space<hbm>> -> memref<640x64xf32, #tpu.memory_space<hbm>>
      %dma_wait3A_59 = arith.constant 0 : i32
      %dma_wait3A_60 = tpu.memref_slice %arg10[%mul3A_2, %dma_wait3A_59] : memref<10240x64xf32, #tpu.memory_space<vmem_shared>> -> memref<640x64xf32, #tpu.memory_space<vmem_shared>>
      tpu.wait_dma2 semaphore(%run_scoped3A : memref<!tpu.dma_semaphore, #tpu.memory_space<semaphore_mem>>) src(%dma_wait3A_60 : memref<640x64xf32, #tpu.memory_space<vmem_shared>>) dst(%dma_wait3A_58 : memref<640x64xf32, #tpu.memory_space<hbm>>)
      tpu.yield
    }) : () -> ()
    return
  }
}

module attributes {stable_mosaic.version = 14 : i64} {
  func.func @_tc1_body(%arg0: memref<2x10240xf32, #tpu.memory_space<vmem>>, %arg1: memref<10000x128xf32, #tpu.memory_space<vmem>>, %arg2: memref<128x64xf32, #tpu.memory_space<vmem>>, %arg3: memref<1x64xf32, #tpu.memory_space<vmem>>, %arg4: memref<10240x64xf32, #tpu.memory_space<vmem>>) attributes {dimension_semantics = [], scalar_prefetch = 0 : i64, scratch_operands = 0 : i64, tpu.core_type = #tpu.core_type<tc>} {
    %get3A = arith.constant 0 : index
    %get3A_0 = arith.constant 0 : index
    %get3A_1 = vector.load %arg0[%get3A, %get3A_0] : memref<2x10240xf32, #tpu.memory_space<vmem>>, vector<1x10240xf32>
    %get3A_2 = arith.constant 1 : index
    %get3A_3 = arith.constant 0 : index
    %get3A_4 = vector.load %arg0[%get3A_2, %get3A_3] : memref<2x10240xf32, #tpu.memory_space<vmem>>, vector<1x10240xf32>
    %add3A = arith.addf %get3A_1, %get3A_4 : vector<1x10240xf32>
    %gt3A = arith.constant 0.000000e+00 : f32
    %gt3A_5 = vector.broadcast %gt3A : f32 to vector<1x10240xf32>
    %gt3A_6 = arith.cmpf ogt, %add3A, %gt3A_5 : vector<1x10240xf32>
    %rsqrt3A = math.rsqrt %add3A : vector<1x10240xf32>
    %jit3A = arith.constant 0.000000e+00 : f32
    %broadcast_in_dim3A = vector.broadcast %jit3A : f32 to vector<1x10240xf32>
    %select_n3A = arith.select %gt3A_6, %rsqrt3A, %broadcast_in_dim3A : vector<1x10240xi1>, vector<1x10240xf32>
    %get3A_7 = arith.constant 0 : index
    %get3A_8 = arith.constant 0 : index
    %get3A_9 = vector.load %arg3[%get3A_7, %get3A_8] : memref<1x64xf32, #tpu.memory_space<vmem>>, vector<1x64xf32>
    %dot_general3A = arith.constant dense<0.000000e+00> : vector<10240x64xf32>
    %dot_general3A_10 = tpu.matmul %select_n3A, %get3A_9, %dot_general3A {dimension_numbers = #tpu.dot_dimension_numbers<[0], [0], [1], [1], [0, 1, 1, 1], [], []>, transpose_lhs_hint = false} : vector<1x10240xf32>, vector<1x64xf32>, vector<10240x64xf32> -> vector<10240x64xf32>
    %get3A_11 = arith.constant 0 : index
    %get3A_12 = arith.constant 0 : index
    %get3A_13 = vector.load %arg1[%get3A_11, %get3A_12] : memref<10000x128xf32, #tpu.memory_space<vmem>>, vector<10000x128xf32>
    %get3A_14 = arith.constant 0 : index
    %get3A_15 = arith.constant 0 : index
    %get3A_16 = vector.load %arg2[%get3A_14, %get3A_15] : memref<128x64xf32, #tpu.memory_space<vmem>>, vector<128x64xf32>
    %dot_general3A_17 = arith.constant dense<0.000000e+00> : vector<10000x64xf32>
    %dot_general3A_18 = tpu.matmul %get3A_13, %get3A_16, %dot_general3A_17 {dimension_numbers = #tpu.dot_dimension_numbers<[1], [0], [0], [1], [0, 0, 1, 1], [], []>, transpose_lhs_hint = false} : vector<10000x128xf32>, vector<128x64xf32>, vector<10000x64xf32> -> vector<10000x64xf32>
    %slice3A = vector.extract_strided_slice %dot_general3A_10 {offsets = [0, 0], sizes = [10000, 64], strides = [1, 1]} : vector<10240x64xf32> to vector<10000x64xf32>
    %mul3A = arith.mulf %dot_general3A_18, %slice3A : vector<10000x64xf32>
    %swap3A = arith.constant 0 : index
    %swap3A_19 = arith.constant 0 : index
    %swap3A_20 = vector.load %arg4[%swap3A, %swap3A_19] : memref<10240x64xf32, #tpu.memory_space<vmem>>, vector<10000x64xf32>
    tpu.vector_store %arg4[%swap3A, %swap3A_19], %mul3A {strides = array<i32>} : memref<10240x64xf32, #tpu.memory_space<vmem>>, vector<10000x64xf32>,
    %broadcast_in_dim3A_21 = arith.constant 0.000000e+00 : f32
    %broadcast_in_dim3A_22 = vector.broadcast %broadcast_in_dim3A_21 : f32 to vector<240x64xf32>
    %swap3A_23 = arith.constant 10000 : index
    %swap3A_24 = arith.constant 0 : index
    %swap3A_25 = vector.load %arg4[%swap3A_23, %swap3A_24] : memref<10240x64xf32, #tpu.memory_space<vmem>>, vector<240x64xf32>
    tpu.vector_store %arg4[%swap3A_23, %swap3A_24], %broadcast_in_dim3A_22 {strides = array<i32>} : memref<10240x64xf32, #tpu.memory_space<vmem>>, vector<240x64xf32>,
    return
  }
}

module attributes {stable_mosaic.version = 14 : i64} {
  func.func @_tc2_body(%arg0: memref<2x10240x64xf32, #tpu.memory_space<vmem>>, %arg1: memref<2x10240xf32, #tpu.memory_space<vmem>>, %arg2: memref<1x64xf32, #tpu.memory_space<vmem>>, %arg3: memref<1x64xf32, #tpu.memory_space<vmem>>, %arg4: memref<64x64xf32, #tpu.memory_space<vmem>>, %arg5: memref<10240x64xf32, #tpu.memory_space<vmem>>) attributes {dimension_semantics = [], scalar_prefetch = 0 : i64, scratch_operands = 0 : i64, tpu.core_type = #tpu.core_type<tc>} {
    %get3A = arith.constant 0 : index
    %get3A_0 = arith.constant 0 : index
    %get3A_1 = vector.load %arg1[%get3A, %get3A_0] : memref<2x10240xf32, #tpu.memory_space<vmem>>, vector<1x10240xf32>
    %get3A_2 = arith.constant 1 : index
    %get3A_3 = arith.constant 0 : index
    %get3A_4 = vector.load %arg1[%get3A_2, %get3A_3] : memref<2x10240xf32, #tpu.memory_space<vmem>>, vector<1x10240xf32>
    %add3A = arith.addf %get3A_1, %get3A_4 : vector<1x10240xf32>
    %gt3A = arith.constant 0.000000e+00 : f32
    %gt3A_5 = vector.broadcast %gt3A : f32 to vector<1x10240xf32>
    %gt3A_6 = arith.cmpf ogt, %add3A, %gt3A_5 : vector<1x10240xf32>
    %rsqrt3A = math.rsqrt %add3A : vector<1x10240xf32>
    %jit3A = arith.constant 0.000000e+00 : f32
    %broadcast_in_dim3A = vector.broadcast %jit3A : f32 to vector<1x10240xf32>
    %select_n3A = arith.select %gt3A_6, %rsqrt3A, %broadcast_in_dim3A : vector<1x10240xi1>, vector<1x10240xf32>
    %get3A_7 = arith.constant 0 : index
    %get3A_8 = arith.constant 0 : index
    %get3A_9 = vector.load %arg2[%get3A_7, %get3A_8] : memref<1x64xf32, #tpu.memory_space<vmem>>, vector<1x64xf32>
    %dot_general3A = arith.constant dense<0.000000e+00> : vector<10240x64xf32>
    %dot_general3A_10 = tpu.matmul %select_n3A, %get3A_9, %dot_general3A {dimension_numbers = #tpu.dot_dimension_numbers<[0], [0], [1], [1], [0, 1, 1, 1], [], []>, transpose_lhs_hint = false} : vector<1x10240xf32>, vector<1x64xf32>, vector<10240x64xf32> -> vector<10240x64xf32>
    %get3A_11 = arith.constant 0 : index
    %get3A_12 = arith.constant 0 : index
    %get3A_13 = arith.constant 0 : index
    %get3A_14 = vector.load %arg0[%get3A_11, %get3A_12, %get3A_13] : memref<2x10240x64xf32, #tpu.memory_space<vmem>>, vector<1x10240x64xf32>
    %get3A_15 = vector.shape_cast %get3A_14 : vector<1x10240x64xf32> to vector<10240x64xf32>
    %get3A_16 = arith.constant 1 : index
    %get3A_17 = arith.constant 0 : index
    %get3A_18 = arith.constant 0 : index
    %get3A_19 = vector.load %arg0[%get3A_16, %get3A_17, %get3A_18] : memref<2x10240x64xf32, #tpu.memory_space<vmem>>, vector<1x10240x64xf32>
    %get3A_20 = vector.shape_cast %get3A_19 : vector<1x10240x64xf32> to vector<10240x64xf32>
    %add3A_21 = arith.addf %get3A_15, %get3A_20 : vector<10240x64xf32>
    %mul3A = arith.mulf %add3A_21, %dot_general3A_10 : vector<10240x64xf32>
    %get3A_22 = arith.constant 0 : index
    %get3A_23 = arith.constant 0 : index
    %get3A_24 = vector.load %arg3[%get3A_22, %get3A_23] : memref<1x64xf32, #tpu.memory_space<vmem>>, vector<1x64xf32>
    %add3A_25 = vector.broadcast %get3A_24 : vector<1x64xf32> to vector<10240x64xf32>
    %add3A_26 = arith.addf %mul3A, %add3A_25 : vector<10240x64xf32>
    %max3A = arith.constant 0.000000e+00 : f32
    %max3A_27 = vector.broadcast %max3A : f32 to vector<10240x64xf32>
    %max3A_28 = arith.maximumf %add3A_26, %max3A_27 : vector<10240x64xf32>
    %get3A_29 = arith.constant 0 : index
    %get3A_30 = arith.constant 0 : index
    %get3A_31 = vector.load %arg4[%get3A_29, %get3A_30] : memref<64x64xf32, #tpu.memory_space<vmem>>, vector<64x64xf32>
    %dot_general3A_32 = arith.constant dense<0.000000e+00> : vector<10240x64xf32>
    %dot_general3A_33 = tpu.matmul %max3A_28, %get3A_31, %dot_general3A_32 {dimension_numbers = #tpu.dot_dimension_numbers<[1], [0], [0], [1], [0, 0, 1, 1], [], []>, transpose_lhs_hint = false} : vector<10240x64xf32>, vector<64x64xf32>, vector<10240x64xf32> -> vector<10240x64xf32>
    %mul3A_34 = arith.mulf %dot_general3A_33, %dot_general3A_10 : vector<10240x64xf32>
    %swap3A = arith.constant 0 : index
    %swap3A_35 = arith.constant 0 : index
    %swap3A_36 = vector.load %arg5[%swap3A, %swap3A_35] : memref<10240x64xf32, #tpu.memory_space<vmem>>, vector<10240x64xf32>
    tpu.vector_store %arg5[%swap3A, %swap3A_35], %mul3A_34 {strides = array<i32>} : memref<10240x64xf32, #tpu.memory_space<vmem>>, vector<10240x64xf32>,
    return
  }
}

module attributes {stable_mosaic.version = 14 : i64} {
  func.func @_tc3_body(%arg0: memref<2x10240x64xf32, #tpu.memory_space<vmem>>, %arg1: memref<2x10240xf32, #tpu.memory_space<vmem>>, %arg2: memref<1x64xf32, #tpu.memory_space<vmem>>, %arg3: memref<1x64xf32, #tpu.memory_space<vmem>>, %arg4: memref<64x12xf32, #tpu.memory_space<vmem>>, %arg5: memref<1x12xf32, #tpu.memory_space<vmem>>, %arg6: memref<10240x12xf32, #tpu.memory_space<vmem>>) attributes {dimension_semantics = [], scalar_prefetch = 0 : i64, scratch_operands = 0 : i64, tpu.core_type = #tpu.core_type<tc>} {
    %get3A = arith.constant 0 : index
    %get3A_0 = arith.constant 0 : index
    %get3A_1 = vector.load %arg1[%get3A, %get3A_0] : memref<2x10240xf32, #tpu.memory_space<vmem>>, vector<1x10240xf32>
    %get3A_2 = arith.constant 1 : index
    %get3A_3 = arith.constant 0 : index
    %get3A_4 = vector.load %arg1[%get3A_2, %get3A_3] : memref<2x10240xf32, #tpu.memory_space<vmem>>, vector<1x10240xf32>
    %add3A = arith.addf %get3A_1, %get3A_4 : vector<1x10240xf32>
    %gt3A = arith.constant 0.000000e+00 : f32
    %gt3A_5 = vector.broadcast %gt3A : f32 to vector<1x10240xf32>
    %gt3A_6 = arith.cmpf ogt, %add3A, %gt3A_5 : vector<1x10240xf32>
    %rsqrt3A = math.rsqrt %add3A : vector<1x10240xf32>
    %jit3A = arith.constant 0.000000e+00 : f32
    %broadcast_in_dim3A = vector.broadcast %jit3A : f32 to vector<1x10240xf32>
    %select_n3A = arith.select %gt3A_6, %rsqrt3A, %broadcast_in_dim3A : vector<1x10240xi1>, vector<1x10240xf32>
    %get3A_7 = arith.constant 0 : index
    %get3A_8 = arith.constant 0 : index
    %get3A_9 = vector.load %arg2[%get3A_7, %get3A_8] : memref<1x64xf32, #tpu.memory_space<vmem>>, vector<1x64xf32>
    %dot_general3A = arith.constant dense<0.000000e+00> : vector<10240x64xf32>
    %dot_general3A_10 = tpu.matmul %select_n3A, %get3A_9, %dot_general3A {dimension_numbers = #tpu.dot_dimension_numbers<[0], [0], [1], [1], [0, 1, 1, 1], [], []>, transpose_lhs_hint = false} : vector<1x10240xf32>, vector<1x64xf32>, vector<10240x64xf32> -> vector<10240x64xf32>
    %get3A_11 = arith.constant 0 : index
    %get3A_12 = arith.constant 0 : index
    %get3A_13 = arith.constant 0 : index
    %get3A_14 = vector.load %arg0[%get3A_11, %get3A_12, %get3A_13] : memref<2x10240x64xf32, #tpu.memory_space<vmem>>, vector<1x10240x64xf32>
    %get3A_15 = vector.shape_cast %get3A_14 : vector<1x10240x64xf32> to vector<10240x64xf32>
    %get3A_16 = arith.constant 1 : index
    %get3A_17 = arith.constant 0 : index
    %get3A_18 = arith.constant 0 : index
    %get3A_19 = vector.load %arg0[%get3A_16, %get3A_17, %get3A_18] : memref<2x10240x64xf32, #tpu.memory_space<vmem>>, vector<1x10240x64xf32>
    %get3A_20 = vector.shape_cast %get3A_19 : vector<1x10240x64xf32> to vector<10240x64xf32>
    %add3A_21 = arith.addf %get3A_15, %get3A_20 : vector<10240x64xf32>
    %mul3A = arith.mulf %add3A_21, %dot_general3A_10 : vector<10240x64xf32>
    %get3A_22 = arith.constant 0 : index
    %get3A_23 = arith.constant 0 : index
    %get3A_24 = vector.load %arg3[%get3A_22, %get3A_23] : memref<1x64xf32, #tpu.memory_space<vmem>>, vector<1x64xf32>
    %add3A_25 = vector.broadcast %get3A_24 : vector<1x64xf32> to vector<10240x64xf32>
    %add3A_26 = arith.addf %mul3A, %add3A_25 : vector<10240x64xf32>
    %max3A = arith.constant 0.000000e+00 : f32
    %max3A_27 = vector.broadcast %max3A : f32 to vector<10240x64xf32>
    %max3A_28 = arith.maximumf %add3A_26, %max3A_27 : vector<10240x64xf32>
    %get3A_29 = arith.constant 0 : index
    %get3A_30 = arith.constant 0 : index
    %get3A_31 = vector.load %arg4[%get3A_29, %get3A_30] : memref<64x12xf32, #tpu.memory_space<vmem>>, vector<64x12xf32>
    %dot_general3A_32 = arith.constant dense<0.000000e+00> : vector<10240x12xf32>
    %dot_general3A_33 = tpu.matmul %max3A_28, %get3A_31, %dot_general3A_32 {dimension_numbers = #tpu.dot_dimension_numbers<[1], [0], [0], [1], [0, 0, 1, 1], [], []>, transpose_lhs_hint = false} : vector<10240x64xf32>, vector<64x12xf32>, vector<10240x12xf32> -> vector<10240x12xf32>
    %get3A_34 = arith.constant 0 : index
    %get3A_35 = arith.constant 0 : index
    %get3A_36 = vector.load %arg5[%get3A_34, %get3A_35] : memref<1x12xf32, #tpu.memory_space<vmem>>, vector<1x12xf32>
    %add3A_37 = vector.broadcast %get3A_36 : vector<1x12xf32> to vector<10240x12xf32>
    %add3A_38 = arith.addf %dot_general3A_33, %add3A_37 : vector<10240x12xf32>
    %swap3A = arith.constant 0 : index
    %swap3A_39 = arith.constant 0 : index
    %swap3A_40 = vector.load %arg6[%swap3A, %swap3A_39] : memref<10240x12xf32, #tpu.memory_space<vmem>>, vector<10240x12xf32>
    tpu.vector_store %arg6[%swap3A, %swap3A_39], %add3A_38 {strides = array<i32>} : memref<10240x12xf32, #tpu.memory_space<vmem>>, vector<10240x12xf32>,
    return
  }
}

</mosaic_0001>

<sc_bundles>
// kernel: kernel.11.cloned.1.call-start
scs
__scs_entry_jumppad:
0x0: {  	(pc) =	sbr.rel $0x88, $3  }
0x1: {  	(tag) =	ssettag $0x0;
	lr =	simm.s32 $0x1  }
0x2: {  	[smem:$0x3F99] =	sst lr;
	_ =	strace $0xD0000000  }
0x3: {  	_ = 	snop  }
0x4: {  	_ = 	snop  }
0x5: {  	_ = 	snop  }
0x6: {  	_ = 	snop  }
0x7: {  	_ = 	snop  }
__scs_overlays_trampoline_lowered:
0x8: {  	[smem:$0x3FA8] =	sst s0  }
0x9: {  	[smem:$0x3FA9] =	sst s1  }
0xa: {  	[smem:$0x3FAA] =	sst s2  }
0xb: {  	[smem:$0x3FAB] =	sst s3  }
0xc: {  	[smem:$0x3FAC] =	sst s4  }
0xd: {  	[smem:$0x3FAD] =	sst s5  }
0xe: {  	[smem:$0x3FAE] =	sst s6  }
0xf: {  	[smem:$0x3FAF] =	sst s7  }
0x10: {  	[smem:$0x3FB0] =	sst s8  }
0x11: {  	[smem:$0x3FB1] =	sst s9;
	s0 =	simm.s32 @!p0 $0x0  }
0x12: {  	s1 =	sld [smem:$0x3F97];
	s0 =	simm.s32 @p0 $0x1  }
0x13: {  	[smem:$0x3FB2] =	sst s0;
	s0 =	simm.s32 @!p1 $0x0  }
0x14: {  	s2 =	sld [smem:$0x3F96];
	s0 =	simm.s32 @p1 $0x1  }
0x15: {  	[smem:$0x3FB3] =	sst s0;
	s0 =	simm.s32 @!p2 $0x0  }
0x16: {  	s3 =	sld [smem:$0x3FDB];
	s0 =	simm.s32 @p2 $0x1  }
0x17: {  	s4 =	simm.s32 $0x1BF5;
	[smem:$0x3FB5] =	sst s0  }
0x18: {  	s0 =	sld [smem:$0x3F98];
	_ =	swait.ge [sflag:s4], $0x0  }
0x19: {  	s7 =	sld [smem:$0x3F99]  }
0x1a: {  	s8 =	sadd.s32 $0xFFFFE003, lr  }
0x1b: {  	s9 =	sadd.s32 $0xFFFFFEF7, lr;
	s5 =	simm.s32 $0xFFFFFFFF;
	p2 =	slt.u32 s8, $0xFFFFF086  }
0x1c: {  	p1 =	slt.u32 s9, $0xF7A;
	s5 =	simm.s32 @!p2 $0x0  }
0x1d: {  	s5 =	simm.s32 @p1 $0x1;
	p0 =	seq.s32 s7, s2  }
0x1e: {  	s7 =	smul.u32 @!p0 $0xF7A, s2;
	p2 =	seq.s32 @!p0 s5, $0x0  }
0x1f: {  	s9 =	smul.u32 $0xF7A, s1;
	s8 =	simm.s32 @!p0 $0x1BF5;
	p2 =	por !p2, p0  }
0x20: {  	[sflag:s8] =	ssyncset.s32 @!p0 $0xFFFFF086;
	s6 =	sadd.s32 @!p0 s3, s7;
	s7 =	simm.s32 @!p0 $0x108  }
0x21: {  	s3 =	sadd.s32 s3, s9;
	s6 =	sadd.s32 @!p0 $0x88, s6;
	s7 =	simm.s32 @p2 $0x1082  }
0x22: {  	[simem:s7], [sflag:s8] =	dma.local @!p0 [hbm:s6], $0xF7A  }
0x23: {  	s9 =	sor.u32 $0xD0000000, s2;
	s6 =	simm.s32 $0x108;
	_ =	swait.ge @!p0 [sflag:s8], $0x0  }
0x24: {  	s3 =	sadd.s32 $0x88, s3;
	s6 =	simm.s32 @!p1 $0x1082;
	[sflag:s4] =	ssyncset.s32 $0xFFFFF086  }
0x25: {  	[simem:s6], [sflag:s4] =	dma.local [hbm:s3], $0xF7A  }
0x26: {  	[smem:$0x3F99] =	sst s1;
	(tag) =	ssettag s2;
	_ =	strace s9  }
0x27: {  	s1 =	sld [smem:$0x3FA9]  }
0x28: {  	s2 =	sld [smem:$0x3FAA]  }
0x29: {  	s4 =	sld [smem:$0x3FAC]  }
0x2a: {  	p0 =	seq.s32 s5, $0x0;
	s5 =	sld [smem:$0x3FAD]  }
0x2b: {  	s6 =	sld [smem:$0x3FAE]  }
0x2c: {  	s7 =	sld [smem:$0x3FAF]  }
0x2d: {  	s3 =	simm.s32 $0x108;
	s8 =	sld [smem:$0x3FB0]  }
0x2e: {  	s3 =	simm.s32 @!p0 $0x1082;
	s9 =	sld [smem:$0x3FB1]  }
0x2f: {  	lr =	sadd.s32 s0, s3;
	s0 =	sld [smem:$0x3FA8]  }
0x30: {  	s3 =	sld [smem:$0x3FAB]  }
0x31: {  	[smem:$0x3FB4] =	sst s10  }
0x32: {  	s10 =	sld [smem:$0x3FB2];
	_ =	sdelay $0x3  }
0x33: {  	p0 =	seq.s32 s10, $0x1;
	s10 =	sld [smem:$0x3FB4];
	_ =	sdelay $0x3  }
0x34: {  	[smem:$0x3FB4] =	sst s10  }
0x35: {  	s10 =	sld [smem:$0x3FB3];
	_ =	sdelay $0x3  }
0x36: {  	p1 =	seq.s32 s10, $0x1;
	s10 =	sld [smem:$0x3FB4];
	_ =	sdelay $0x3  }
0x37: {  	[smem:$0x3FB4] =	sst s10  }
0x38: {  	s10 =	sld [smem:$0x3FB5]  }
0x39: {  	_ = 	snop;
	(pc) =	sbr.ind lr, $3  }
0x3a: {  	_ = 	snop  }
0x3b: {  	_ = 	snop  }
0x3c: {  	p2 =	seq.s32 s10, $0x1;
	s10 =	sld [smem:$0x3FB4]  }
0x3d: {  	_ =	shalt  }
0x3e: {  	_ =	shalt  }
0x3f: {  	_ =	shalt  }
0x40: {  	_ =	shalt  }
0x41: {  	_ =	shalt  }
0x42: {  	_ =	shalt  }
0x43: {  	_ =	shalt  }
0x44: {  	_ =	shalt  }
0x45: {  	_ =	shalt  }
0x46: {  	_ =	shalt  }
0x47: {  	_ =	shalt  }
0x48: {  	_ =	shalt  }
0x49: {  	_ =	shalt  }
0x4a: {  	_ =	shalt  }
0x4b: {  	_ =	shalt  }
0x4c: {  	_ =	shalt  }
0x4d: {  	_ =	shalt  }
0x4e: {  	_ =	shalt  }
0x4f: {  	_ =	shalt  }
0x50: {  	_ =	shalt  }
0x51: {  	_ =	shalt  }
0x52: {  	_ =	shalt  }
0x53: {  	_ =	shalt  }
0x54: {  	_ =	shalt  }
0x55: {  	_ =	shalt  }
0x56: {  	_ =	shalt  }
0x57: {  	_ =	shalt  }
0x58: {  	_ =	shalt  }
0x59: {  	_ =	shalt  }
0x5a: {  	_ =	shalt  }
0x5b: {  	_ =	shalt  }
0x5c: {  	_ =	shalt  }
0x5d: {  	_ =	shalt  }
0x5e: {  	_ =	shalt  }
0x5f: {  	_ =	shalt  }
0x60: {  	_ =	shalt  }
0x61: {  	_ =	shalt  }
0x62: {  	_ =	shalt  }
0x63: {  	_ =	shalt  }
0x64: {  	_ =	shalt  }
0x65: {  	_ =	shalt  }
0x66: {  	_ =	shalt  }
0x67: {  	_ =	shalt  }
0x68: {  	_ =	shalt  }
0x69: {  	_ =	shalt  }
0x6a: {  	_ =	shalt  }
0x6b: {  	_ =	shalt  }
0x6c: {  	_ =	shalt  }
0x6d: {  	_ =	shalt  }
0x6e: {  	_ =	shalt  }
0x6f: {  	_ =	shalt  }
0x70: {  	_ =	shalt  }
0x71: {  	_ =	shalt  }
0x72: {  	_ =	shalt  }
0x73: {  	_ =	shalt  }
0x74: {  	_ =	shalt  }
0x75: {  	_ =	shalt  }
0x76: {  	_ =	shalt  }
0x77: {  	_ =	shalt  }
0x78: {  	_ =	shalt  }
0x79: {  	_ =	shalt  }
0x7a: {  	_ =	shalt  }
0x7b: {  	_ =	shalt  }
0x7c: {  	_ =	shalt  }
0x7d: {  	_ =	shalt  }
0x7e: {  	_ =	shalt  }
0x7f: {  	_ =	shalt  }
0x80: {  	_ =	shalt  }
0x81: {  	_ =	shalt  }
0x82: {  	_ =	shalt  }
0x83: {  	_ =	shalt  }
0x84: {  	_ =	shalt  }
0x85: {  	_ =	shalt  }
0x86: {  	_ =	shalt  }
0x87: {  	_ =	shalt  }
.Lfunc_end0:
.L_simem_size_0:
called_computation.1_lowered:
.L_overlay_start_0:
0x88: {  	s2 =	sld [smem:$0x3FD9]  }
0x89: {  	s3 =	sld [smem:$0x3FFE];
	_ =	sdelay $0x1  }
0x8a: {  	s1 =	srdreg.scid  }
0x8b: {  	s0 =	sand.u32 $0x1, s1  }
0x8c: {  	s17 =	sshll.u32 s0, $0xA;
	s2 =	sadd.s32 s3, s2  }
0x8d: {  	s2 =	sadd.s32 s2, s17  }
0x8e: {  	[smem:$0x3FC0] =	sst s2  }
0x8f: {  	_ = 	snop  }
0x90: {  	s2 =	sld [smem:$0x3FD0];
	(tm) =	ssettm $0x1  }
0x91: {  	s18 =	sld [smem:$0x3FFB];
	_ =	sdelay $0x3  }
0x92: {  	_ =	strace s18  }
0x93: {  	s3 =	sld [smem:$0x3FFC];
	_ =	sdelay $0x3  }
0x94: {  	_ =	strace s3  }
0x95: {  	s3 =	sld [smem:$0x3FFD];
	_ =	sdelay $0x3  }
0x96: {  	_ =	strace s3  }
0x97: {  	_ =	strace $0x8FFFFFFF  }
0x98: {  	s19 =	sld [smem:$0x3FDB];
	_ =	sdelay $0x1  }
0x99: {  	s4 =	simm.s32 $_scs_section_size  }
0x9a: {  	s5 =	simm.s32 $_size__tile_overlayer_lowered;
	s6 =	simm.s32 $_tile_overlayer_lowered  }
0x9b: {  	s22 =	simm.s32 $0x1BFF;
	s21 =	sshll.u32 s6, $0x1;
	s3 =	sadd.s32 s4, s19  }
0x9c: {  	s7 =	simm.s32 $0x0;
	s20 =	sshll.u32 s5, $0x1;
	s5 =	sadd.s32 s21, s3  }
0x9d: {  	[timem:s7], [sflag:s22] =	dma.local [hbm:s5], s20  }
0x9e: {  	_ =	swait.ge [sflag:s22], s20  }
0x9f: {  	s4 =	ssub.s32 $0x0, s20;
	[sflag:s22] =	ssyncset.done $0x0  }
0xa0: {  	[sflag:s22] =	ssyncadd.s32 s4;
	_ =	sdelay $0x1  }
0xa1: {  	s23 =	simm.s32 $0x1B8B  }
0xa2: {  	_ =	swait.ge [sflag:s23], $0x1  }
0xa3: {  	[sflag:s23] =	ssyncset.done $0x0  }
0xa4: {  	s25 =	simm.s32 $0x1B8E;
	s24 =	sld [smem:$0x3FFE];
	[sflag:s23] =	ssyncadd.s32 $0xFFFFFFFF  }
0xa5: {  	s26 =	simm.s32 $execute0_lowered;
	[smem:$0x3FD2] =	sst s25  }
0xa6: {  	s5 =	sshll.u32 s26, $0x1;
	_ =	strace $0x80000049;
	[dreg:$0x1] =	wrdreg $0xFFFFFFFF  }
0xa7: {  	s28 =	simm.s32 $_size_execute0_lowered;
	s3 =	sadd.s32 s3, s5;
	[dreg:$0x0] =	wrdreg $0x0  }
0xa8: {  	s5 =	sshll.u32 s28, $0x1;
	[dreg:$0x2] =	wrdreg s3  }
0xa9: {  	[dreg:$0x3] =	wrdreg s5  }
0xaa: {  	[dreg:$0x4] =	wrdreg $0xC0  }
0xab: {  	_ =	task [dreg:s7], $0x5FFFF  }
0xac: {  	[dreg:$0x1] =	wrdreg $0xFFFFFFFF  }
0xad: {  	[dreg:$0x0] =	wrdreg $0x60  }
0xae: {  	[dreg:$0x2] =	wrdreg s24  }
0xaf: {  	[dreg:$0x3] =	wrdreg s2  }
0xb0: {  	[dreg:$0x4] =	wrdreg $0xB1000  }
0xb1: {  	[dreg:$0x5] =	wrdreg $0x151000  }
0xb2: {  	[dreg:$0x6] =	wrdreg $0x9  }
0xb3: {  	_ =	task.clear_ibuf [dreg:s7], $0x7FFFF;
	_ =	strace $0x90000049  }
0xb4: {  	s29 =	simm.s32 $0x9;
	_ =	strace $0x8000004B  }
0xb5: {  	_ =	swait.ge [sflag:s29], $0x1  }
0xb6: {  	[sflag:s29] =	ssyncadd.s32 $0xFFFFFFFF  }
0xb7: {  	_ =	strace $0x9000004B  }
0xb8: {  	_ =	sfence  }
0xb9: {  	s30 =	sld [smem:$0x0];
	_ =	sdelay $0x2  }
0xba: {  	s31 =	sshll.u32 s1, $0xD;
	s1 =	sshrl.u32 s1, $0x2  }
0xbb: {  	s3 =	sand.u32 $0x4000, s31;
	s1 =	sadd.s32 s1, s30  }
0xbc: {  	s0 =	sor.u32 s3, s0;
	s1 =	sshll.u32 s1, $0x11  }
0xbd: {  	s0 =	sor.u32 s1, s0  }
0xbe: {  	s0 =	sadd.s32 $0x8F2B, s0  }
0xbf: {  	[sflag:s0] =	ssyncadd.remote.s32 $0x1  }
0xc0: {  	_ =	sfence.sel $0xFFFF  }
0xc1: {  	[dreg:$0x0] =	wrdreg $0xFFFFFFFF;
	(pc) =	sbr.abs _section_cstart, $3  }
0xc2: {  	[dreg:$0x1] =	wrdreg $0xFFFFFFFF  }
0xc3: {  	_ =	task.clear_ibuf [dreg:s7], $0x2FFFF;
	_ =	strace $0x9FFFFFFF  }
0xc4: {  	(tm) =	ssettm $0x7FFFFFFF  }
0xc5: {  	_ =	shalt  }
tec
execute0_lowered:
.L_overlay_start_1:
0x0: {  	(tag) =	ssettag $0x1  }
0x1: {  	s6 =	rddreg [dreg:$0x0]  }
0x2: {  	s10 =	rddreg [dreg:$0x1]  }
0x3: {  	s0 =	stileid.u32;
	s2 =	rddreg [dreg:$0x2]  }
0x4: {  	s1 =	srdreg.scid;
	s3 =	rddreg [dreg:$0x3];
	s4 =	simm.s32 $0x0  }
0x5: {  	s18 =	simm.s32 $0x80;
	s19 =	simm.s32 $0x5100;
	s21 =	simm.s32 $0x7100  }
0x6: {  	s22 =	simm.s32 $0x9100;
	s23 =	simm.s32 $0x4;
	s28 =	simm.s32 $0x5080  }
0x7: {  	s29 =	simm.s32 $0x0;
	s5 =	sand.u32 $0x1, s1;
	s24 =	sshll.u32 s0, $0x1  }
0x8: {  	s9 =	smul.u32 $0xA000, s0;
	[smem:$0x7FF] =	sst s4;
	p0 =	seq.s32 s0, $0xF  }
0x9: {  	s7 =	sor.u32 s5, s24;
	s12 =	smul.u32 $0xA0000, s5;
	_ =	strace $0x8000004A  }
0xa: {  	s26 =	ssub.s32 $0x2, s5;
	s5 =	sadd.s32 $0x29400, s6;
	s24 =	simm.s32 $0x5000  }
0xb: {  	s8 =	smul.u32 $0xA20, s7;
	s11 =	sshrl.u32 s9, $0x3;
	s14 =	sshrl.u32 s26, $0x1  }
0xc: {  	s30 =	smul.u32 $0x5100, s7;
	s16 =	sadd.s32 s9, s2;
	s7 =	sshll.u32 s0, $0x6  }
0xd: {  	s17 =	sadd.s32 s9, s3;
	s11 =	sadd.s32 s11, s6;
	s25 =	sadd.s32 s9, s12  }
0xe: {  	s12 =	ssub.s32 s26, s14;
	s14 =	sshrl.u32 s17, $0x3;
	s17 =	simm.s32 $0x3  }
0xf: {  	s26 =	simm.s32 $0x4F80;
	s13 =	sadd.s32 s8, s6;
	s8 =	sshrl.u32 s25, $0x3  }
0x10: {  	s31 =	sadd.s32 $0xFFF68200, s30;
	s25 =	simm.s32 $0x4E80;
	s15 =	sadd.s32 s8, s6  }
0x11: {  	s6 =	sadd.s32 $0x15400, s11;
	s8 =	sor.u32 $0x1C02, s7;
	s11 =	sshrl.u32 s31, $0x3  }
0x12: {  	s9 =	sadd.s32 $0x1A00, s13;
	s13 =	sadd.s32 s10, s11;
	s10 =	sadd.s32 $0x2A800, s15  }
0x13: {  	s11 =	smax.u32 s12, $0x1;
	s12 =	sshrl.u32 s16, $0x3;
	s15 =	simm.s32 $0x1  }
0x14: {  	s16 =	simm.s32 $0x2;
	s9 =	smov.u32 @p0 s13;
	s13 =	sor.u32 $0x1C03, s7  }
.LBB2_1:
0x15: {  	[spmem:s12], [sflag:s8] =	dma.local [hbm:s6], $0x1400  }
0x16: {  	[spmem:s14], [sflag:s13] =	dma.local [hbm:s5], $0x1400  }
0x17: {  	[tilespmem:s4], [sflag:$0x1] =	stream.linear.gather [hbm4b:s9+s4], $0x5100, $0x38;
	[tilespmem:$0x1F100] =	vst v63  }
0x18: {  	_ =	swait.ge [sflag:s15], $0x5100  }
0x19: {  	[sflag:s15] =	ssyncset.done $0x0  }
0x1a: {  	[sflag:s15] =	ssyncadd.s32 $0xFFFFAF00  }
0x1b: {  	_ =	swait.ge [sflag:s16], $0x1400  }
0x1c: {  	[sflag:s16] =	ssyncset.done $0x0  }
0x1d: {  	[sflag:s16] =	ssyncadd.s32 $0xFFFFEC00  }
0x1e: {  	_ =	swait.ge [sflag:s17], $0x1400  }
0x1f: {  	[sflag:s17] =	ssyncset.done $0x0  }
0x20: {  	[sflag:s17] =	ssyncadd.s32 $0xFFFFEC00  }
0x21: {  	[bflag:$0x0] =	sbarrier.arrive $0xFFFF  }
0x22: {  	[tilespmem:s19], [sflag:$0x1] =	stream.indirect.gather [spmem:s2], $0x40, s4, s18, $0xb8;
	[tilespmem:$0x1F100] =	vst v63  }
0x23: {  	s0 =	simm.s32 $0x100  }
0x24: {  	[tilespmem:s21], [sflag:$0x2] =	stream.indirect.gather [spmem:s2], $0x40, s0, s18, $0xb8;
	[tilespmem:$0x1F100] =	vst v63  }
0x25: {  	s30 =	simm.s32 $0x200  }
0x26: {  	[tilespmem:s22], [sflag:$0x3] =	stream.indirect.gather [spmem:s2], $0x40, s30, s18, $0xb8;
	[tilespmem:$0x1F100] =	vst v63  }
0x27: {  	_ =	swait.ge [sflag:s15], $0x2000  }
0x28: {  	[sflag:s15] =	ssyncset.done $0x0  }
0x29: {  	s30 =	simm.s32 $0x80;
	[sflag:s15] =	ssyncadd.s32 $0xFFFFE000  }
0x2a: {  	[spmem:s3] =	stream.indirect.scatter.add.f32 [tilespmem:s19], [sflag:$0x4], $0x40, s30, s18, $0xb8;
	[tilespmem:$0x1F100] =	vst v63  }
0x2b: {  	_ =	swait.ge [sflag:s23], $0x2000  }
0x2c: {  	[sflag:s23] =	ssyncset.done $0x0  }
0x2d: {  	s30 =	simm.s32 $0x300;
	[sflag:s23] =	ssyncadd.s32 $0xFFFFE000  }
0x2e: {  	[tilespmem:s19], [sflag:$0x1] =	stream.indirect.gather [spmem:s2], $0x40, s30, s18, $0xb8;
	[tilespmem:$0x1F100] =	vst v63  }
0x2f: {  	_ =	swait.ge [sflag:s16], $0x2000  }
0x30: {  	[sflag:s16] =	ssyncset.done $0x0  }
0x31: {  	s30 =	simm.s32 $0x180;
	[sflag:s16] =	ssyncadd.s32 $0xFFFFE000  }
0x32: {  	[spmem:s3] =	stream.indirect.scatter.add.f32 [tilespmem:s21], [sflag:$0x4], $0x40, s30, s18, $0xb8;
	[tilespmem:$0x1F100] =	vst v63  }
0x33: {  	_ =	swait.ge [sflag:s23], $0x2000  }
0x34: {  	[sflag:s23] =	ssyncset.done $0x0  }
0x35: {  	s30 =	simm.s32 $0x400;
	[sflag:s23] =	ssyncadd.s32 $0xFFFFE000  }
0x36: {  	[tilespmem:s21], [sflag:$0x2] =	stream.indirect.gather [spmem:s2], $0x40, s30, s18, $0xb8;
	[tilespmem:$0x1F100] =	vst v63  }
0x37: {  	_ =	swait.ge [sflag:s17], $0x2000  }
0x38: {  	[sflag:s17] =	ssyncset.done $0x0  }
0x39: {  	s30 =	simm.s32 $0x280;
	[sflag:s17] =	ssyncadd.s32 $0xFFFFE000  }
0x3a: {  	[spmem:s3] =	stream.indirect.scatter.add.f32 [tilespmem:s22], [sflag:$0x4], $0x40, s30, s18, $0xb8;
	[tilespmem:$0x1F100] =	vst v63  }
0x3b: {  	_ =	swait.ge [sflag:s23], $0x2000  }
0x3c: {  	s31 =	simm.s32 $0x1800;
	s30 =	simm.s32 $0x300;
	[sflag:s23] =	ssyncset.done $0x0  }
.LBB2_2:
0x3d: {  	s1 =	sadd.s32 $0x200, s30  }
0x3e: {  	[sflag:s23] =	ssyncadd.s32 $0xFFFFE000;
	s0 =	smov.u32 s31;
	s20 =	sadd.s32 $0xC00, s31  }
0x3f: {  	[tilespmem:s22], [sflag:$0x3] =	stream.indirect.gather [spmem:s2], $0x40, s1, s18, $0xb8;
	[tilespmem:$0x1F100] =	vst v63  }
0x40: {  	p0 =	sne.s32 s31, $0x12C00;
	_ =	swait.ge [sflag:s15], $0x2000  }
0x41: {  	[sflag:s15] =	ssyncset.done $0x0  }
0x42: {  	s1 =	sadd.s32 $0x80, s30;
	[sflag:s15] =	ssyncadd.s32 $0xFFFFE000  }
0x43: {  	[spmem:s3] =	stream.indirect.scatter.add.f32 [tilespmem:s19], [sflag:$0x4], $0x40, s1, s18, $0xb8;
	[tilespmem:$0x1F100] =	vst v63  }
0x44: {  	_ =	swait.ge [sflag:s23], $0x2000  }
0x45: {  	[sflag:s23] =	ssyncset.done $0x0  }
0x46: {  	s1 =	sadd.s32 $0x300, s30;
	[sflag:s23] =	ssyncadd.s32 $0xFFFFE000  }
0x47: {  	[tilespmem:s19], [sflag:$0x1] =	stream.indirect.gather [spmem:s2], $0x40, s1, s18, $0xb8;
	[tilespmem:$0x1F100] =	vst v63  }
0x48: {  	_ =	swait.ge [sflag:s16], $0x2000  }
0x49: {  	[sflag:s16] =	ssyncset.done $0x0  }
0x4a: {  	s1 =	sadd.s32 $0x180, s30;
	[sflag:s16] =	ssyncadd.s32 $0xFFFFE000  }
0x4b: {  	[spmem:s3] =	stream.indirect.scatter.add.f32 [tilespmem:s21], [sflag:$0x4], $0x40, s1, s18, $0xb8;
	[tilespmem:$0x1F100] =	vst v63  }
0x4c: {  	_ =	swait.ge [sflag:s23], $0x2000  }
0x4d: {  	[sflag:s23] =	ssyncset.done $0x0  }
0x4e: {  	s1 =	sadd.s32 $0x400, s30;
	[sflag:s23] =	ssyncadd.s32 $0xFFFFE000  }
0x4f: {  	[tilespmem:s21], [sflag:$0x2] =	stream.indirect.gather [spmem:s2], $0x40, s1, s18, $0xb8;
	[tilespmem:$0x1F100] =	vst v63  }
0x50: {  	_ =	swait.ge [sflag:s17], $0x2000  }
.Ltmp0:
0x51: {  	[sflag:s17] =	ssyncset.done $0x0;
	(pc) =	sbr.rel @p0 .LBB2_2-.Ltmp0, $4  }
0x52: {  	s1 =	sadd.s32 $0x280, s30;
	[sflag:s17] =	ssyncadd.s32 $0xFFFFE000  }
0x53: {  	[spmem:s3] =	stream.indirect.scatter.add.f32 [tilespmem:s22], [sflag:$0x4], $0x40, s1, s18, $0xb8;
	[tilespmem:$0x1F100] =	vst v63  }
0x54: {  	_ =	swait.ge [sflag:s23], $0x2000  }
0x55: {  	s31 =	smov.u32 s20;
	s30 =	sshra.s32 s0, $0x2;
	[sflag:s23] =	ssyncset.done $0x0  }
0x56: {  	s0 =	sadd.s32 $0x200, s30;
	[sflag:s23] =	ssyncadd.s32 $0xFFFFE000  }
0x57: {  	[tilespmem:s22], [sflag:$0x3] =	stream.indirect.gather [spmem:s2], $0x40, s0, s18, $0xb8;
	[tilespmem:$0x1F100] =	vst v63  }
0x58: {  	_ =	swait.ge [sflag:s15], $0x2000  }
0x59: {  	[sflag:s15] =	ssyncset.done $0x0  }
0x5a: {  	s20 =	sadd.s32 $0x80, s30;
	[sflag:s15] =	ssyncadd.s32 $0xFFFFE000  }
0x5b: {  	[spmem:s3] =	stream.indirect.scatter.add.f32 [tilespmem:s19], [sflag:$0x4], $0x40, s20, s18, $0xb8;
	[tilespmem:$0x1F100] =	vst v63  }
0x5c: {  	_ =	swait.ge [sflag:s23], $0x2000  }
0x5d: {  	[sflag:s23] =	ssyncset.done $0x0  }
0x5e: {  	s31 =	sadd.s32 $0x300, s30;
	[sflag:s23] =	ssyncadd.s32 $0xFFFFE000  }
0x5f: {  	[tilespmem:s19], [sflag:$0x1] =	stream.indirect.gather [spmem:s2], $0x40, s31, s18, $0xb8;
	[tilespmem:$0x1F100] =	vst v63  }
0x60: {  	_ =	swait.ge [sflag:s16], $0x2000  }
0x61: {  	[sflag:s16] =	ssyncset.done $0x0  }
0x62: {  	s1 =	sadd.s32 $0x180, s30;
	[sflag:s16] =	ssyncadd.s32 $0xFFFFE000  }
0x63: {  	[spmem:s3] =	stream.indirect.scatter.add.f32 [tilespmem:s21], [sflag:$0x4], $0x40, s1, s18, $0xb8;
	[tilespmem:$0x1F100] =	vst v63  }
0x64: {  	_ =	swait.ge [sflag:s23], $0x2000  }
0x65: {  	[sflag:s23] =	ssyncset.done $0x0  }
0x66: {  	s20 =	sadd.s32 $0x400, s30;
	[sflag:s23] =	ssyncadd.s32 $0xFFFFE000  }
0x67: {  	[tilespmem:s21], [sflag:$0x2] =	stream.indirect.gather [spmem:s2], $0x40, s20, s18, $0xb8;
	[tilespmem:$0x1F100] =	vst v63  }
0x68: {  	_ =	swait.ge [sflag:s17], $0x2000  }
0x69: {  	[sflag:s17] =	ssyncset.done $0x0  }
0x6a: {  	s30 =	sadd.s32 $0x280, s30;
	[sflag:s17] =	ssyncadd.s32 $0xFFFFE000  }
0x6b: {  	[spmem:s3] =	stream.indirect.scatter.add.f32 [tilespmem:s22], [sflag:$0x4], $0x40, s30, s18, $0xb8;
	[tilespmem:$0x1F100] =	vst v63  }
0x6c: {  	_ =	swait.ge [sflag:s23], $0x2000  }
0x6d: {  	[sflag:s23] =	ssyncset.done $0x0  }
0x6e: {  	[sflag:s23] =	ssyncadd.s32 $0xFFFFE000  }
0x6f: {  	[tilespmem:s22], [sflag:$0x3] =	stream.indirect.gather [spmem:s2], $0x40, s24, s18, $0xb8;
	[tilespmem:$0x1F100] =	vst v63  }
0x70: {  	_ =	swait.ge [sflag:s15], $0x2000  }
0x71: {  	[sflag:s15] =	ssyncset.done $0x0  }
0x72: {  	[sflag:s15] =	ssyncadd.s32 $0xFFFFE000  }
0x73: {  	[spmem:s3] =	stream.indirect.scatter.add.f32 [tilespmem:s19], [sflag:$0x4], $0x40, s25, s18, $0xb8;
	[tilespmem:$0x1F100] =	vst v63  }
0x74: {  	_ =	swait.ge [sflag:s23], $0x2000  }
0x75: {  	[sflag:s23] =	ssyncset.done $0x0  }
0x76: {  	[sflag:s23] =	ssyncadd.s32 $0xFFFFE000  }
0x77: {  	_ =	swait.ge [sflag:s16], $0x2000  }
0x78: {  	[sflag:s16] =	ssyncset.done $0x0  }
0x79: {  	[sflag:s16] =	ssyncadd.s32 $0xFFFFE000  }
0x7a: {  	[spmem:s3] =	stream.indirect.scatter.add.f32 [tilespmem:s21], [sflag:$0x4], $0x40, s26, s18, $0xb8;
	[tilespmem:$0x1F100] =	vst v63  }
0x7b: {  	_ =	swait.ge [sflag:s23], $0x2000  }
0x7c: {  	[sflag:s23] =	ssyncset.done $0x0  }
0x7d: {  	[sflag:s23] =	ssyncadd.s32 $0xFFFFE000  }
0x7e: {  	_ =	swait.ge [sflag:s17], $0x2000  }
0x7f: {  	[sflag:s17] =	ssyncset.done $0x0  }
0x80: {  	[sflag:s17] =	ssyncadd.s32 $0xFFFFE000  }
0x81: {  	[spmem:s3] =	stream.indirect.scatter.add.f32 [tilespmem:s22], [sflag:$0x4], $0x40, s28, s18, $0xb8;
	[tilespmem:$0x1F100] =	vst v63  }
0x82: {  	_ =	swait.ge [sflag:s23], $0x2000  }
0x83: {  	s29 =	sadd.s32 $0x1, s29;
	[sflag:s23] =	ssyncset.done $0x0  }
0x84: {  	p0 =	sne.s32 s29, s11;
	[sflag:s23] =	ssyncadd.s32 $0xFFFFE000  }
.Ltmp1:
0x85: {  	s31 =	sor.u32 $0x1C04, s7;
	[bflag:$0x0] =	sbarrier.arrive $0xFFFF;
	(pc) =	sbr.rel @p0 .LBB2_1-.Ltmp1, $4  }
0x86: {  	[hbm:s10], [sflag:s31] =	dma.local [spmem:s14], $0x1400  }
0x87: {  	_ =	swait.ge [sflag:s23], $0x1400  }
0x88: {  	[sflag:s23] =	ssyncset.done $0x0  }
0x89: {  	[sflag:s23] =	ssyncadd.s32 $0xFFFFEC00  }
0x8a: {  	_ =	sfence.sel $0x180000  }
0x8b: {  	[bflag:$0x0] =	sbarrier.arrive $0xFFFF  }
0x8c: {  	_ =	strace $0x9000004A  }
0x8d: {  	s0 =	stileid.u32;
	[bflag:$0x2] =	sbarrier.arrive $0xFFFF  }
0x8e: {  	p0 =	sne.s32 s0, $0x0;
	s0 =	rddreg [dreg:$0x4]  }
0x8f: {  	s0 =	sadd.s32 @!p0 $0x100000, s0  }
0x90: {  	[sflag:s0] =	ssyncadd.tile.s32 @!p0 $0x1;
	_ =	shalt  }
.Lfunc_end2:
_tile_overlayer_lowered:
.L_overlay_start_2:
0x91: {  	(tag) =	ssettag $0x2  }
0x92: {  	s0 =	rddreg [dreg:$0x0];
	s2 =	stileid.u32  }
0x93: {  	s1 =	rddreg [dreg:$0x1];
	p0 =	sne.s32 s2, $0x0  }
0x94: {  	s3 =	rddreg [dreg:$0x2];
	[bflag:$0x3] =	sbarrier.arrive $0xFFFF;
	s2 =	simm.s32 @!p0 $0x1C04  }
0x95: {  	[timem:s3], [sflag:s2] =	dma.local @!p0 [hbm:s0], s1  }
0x96: {  	s0 =	simm.s32 @!p0 $0x4  }
0x97: {  	_ =	swait.ge @!p0 [sflag:s0], s1  }
0x98: {  	s1 =	ssub.s32 @!p0 $0x0, s1;
	[sflag:s0] =	ssyncset.done @!p0 $0x0  }
0x99: {  	[sflag:s0] =	ssyncadd.s32 @!p0 s1  }
0x9a: {  	[bflag:$0x3] =	sbarrier.arrive $0xFFFF  }
0x9b: {  	_ =	shalt  }

// kernel: kernel.14.cloned.1.call-start
scs
__scs_entry_jumppad:
0x0: {  	(pc) =	sbr.rel $0x88, $3  }
0x1: {  	(tag) =	ssettag $0x0;
	lr =	simm.s32 $0x1  }
0x2: {  	[smem:$0x3F99] =	sst lr;
	_ =	strace $0xD0000000  }
0x3: {  	_ = 	snop  }
0x4: {  	_ = 	snop  }
0x5: {  	_ = 	snop  }
0x6: {  	_ = 	snop  }
0x7: {  	_ = 	snop  }
__scs_overlays_trampoline_lowered:
0x8: {  	[smem:$0x3FA8] =	sst s0  }
0x9: {  	[smem:$0x3FA9] =	sst s1  }
0xa: {  	[smem:$0x3FAA] =	sst s2  }
0xb: {  	[smem:$0x3FAB] =	sst s3  }
0xc: {  	[smem:$0x3FAC] =	sst s4  }
0xd: {  	[smem:$0x3FAD] =	sst s5  }
0xe: {  	[smem:$0x3FAE] =	sst s6  }
0xf: {  	[smem:$0x3FAF] =	sst s7  }
0x10: {  	[smem:$0x3FB0] =	sst s8  }
0x11: {  	[smem:$0x3FB1] =	sst s9;
	s0 =	simm.s32 @!p0 $0x0  }
0x12: {  	s1 =	sld [smem:$0x3F97];
	s0 =	simm.s32 @p0 $0x1  }
0x13: {  	[smem:$0x3FB2] =	sst s0;
	s0 =	simm.s32 @!p1 $0x0  }
0x14: {  	s2 =	sld [smem:$0x3F96];
	s0 =	simm.s32 @p1 $0x1  }
0x15: {  	[smem:$0x3FB3] =	sst s0;
	s0 =	simm.s32 @!p2 $0x0  }
0x16: {  	s3 =	sld [smem:$0x3FDB];
	s0 =	simm.s32 @p2 $0x1  }
0x17: {  	s4 =	simm.s32 $0x1BF5;
	[smem:$0x3FB5] =	sst s0  }
0x18: {  	s0 =	sld [smem:$0x3F98];
	_ =	swait.ge [sflag:s4], $0x0  }
0x19: {  	s7 =	sld [smem:$0x3F99]  }
0x1a: {  	s8 =	sadd.s32 $0xFFFFE003, lr  }
0x1b: {  	s9 =	sadd.s32 $0xFFFFFEF7, lr;
	s5 =	simm.s32 $0xFFFFFFFF;
	p2 =	slt.u32 s8, $0xFFFFF086  }
0x1c: {  	p1 =	slt.u32 s9, $0xF7A;
	s5 =	simm.s32 @!p2 $0x0  }
0x1d: {  	s5 =	simm.s32 @p1 $0x1;
	p0 =	seq.s32 s7, s2  }
0x1e: {  	s7 =	smul.u32 @!p0 $0xF7A, s2;
	p2 =	seq.s32 @!p0 s5, $0x0  }
0x1f: {  	s9 =	smul.u32 $0xF7A, s1;
	s8 =	simm.s32 @!p0 $0x1BF5;
	p2 =	por !p2, p0  }
0x20: {  	[sflag:s8] =	ssyncset.s32 @!p0 $0xFFFFF086;
	s6 =	sadd.s32 @!p0 s3, s7;
	s7 =	simm.s32 @!p0 $0x108  }
0x21: {  	s3 =	sadd.s32 s3, s9;
	s6 =	sadd.s32 @!p0 $0x88, s6;
	s7 =	simm.s32 @p2 $0x1082  }
0x22: {  	[simem:s7], [sflag:s8] =	dma.local @!p0 [hbm:s6], $0xF7A  }
0x23: {  	s9 =	sor.u32 $0xD0000000, s2;
	s6 =	simm.s32 $0x108;
	_ =	swait.ge @!p0 [sflag:s8], $0x0  }
0x24: {  	s3 =	sadd.s32 $0x88, s3;
	s6 =	simm.s32 @!p1 $0x1082;
	[sflag:s4] =	ssyncset.s32 $0xFFFFF086  }
0x25: {  	[simem:s6], [sflag:s4] =	dma.local [hbm:s3], $0xF7A  }
0x26: {  	[smem:$0x3F99] =	sst s1;
	(tag) =	ssettag s2;
	_ =	strace s9  }
0x27: {  	s1 =	sld [smem:$0x3FA9]  }
0x28: {  	s2 =	sld [smem:$0x3FAA]  }
0x29: {  	s4 =	sld [smem:$0x3FAC]  }
0x2a: {  	p0 =	seq.s32 s5, $0x0;
	s5 =	sld [smem:$0x3FAD]  }
0x2b: {  	s6 =	sld [smem:$0x3FAE]  }
0x2c: {  	s7 =	sld [smem:$0x3FAF]  }
0x2d: {  	s3 =	simm.s32 $0x108;
	s8 =	sld [smem:$0x3FB0]  }
0x2e: {  	s3 =	simm.s32 @!p0 $0x1082;
	s9 =	sld [smem:$0x3FB1]  }
0x2f: {  	lr =	sadd.s32 s0, s3;
	s0 =	sld [smem:$0x3FA8]  }
0x30: {  	s3 =	sld [smem:$0x3FAB]  }
0x31: {  	[smem:$0x3FB4] =	sst s10  }
0x32: {  	s10 =	sld [smem:$0x3FB2];
	_ =	sdelay $0x3  }
0x33: {  	p0 =	seq.s32 s10, $0x1;
	s10 =	sld [smem:$0x3FB4];
	_ =	sdelay $0x3  }
0x34: {  	[smem:$0x3FB4] =	sst s10  }
0x35: {  	s10 =	sld [smem:$0x3FB3];
	_ =	sdelay $0x3  }
0x36: {  	p1 =	seq.s32 s10, $0x1;
	s10 =	sld [smem:$0x3FB4];
	_ =	sdelay $0x3  }
0x37: {  	[smem:$0x3FB4] =	sst s10  }
0x38: {  	s10 =	sld [smem:$0x3FB5]  }
0x39: {  	_ = 	snop;
	(pc) =	sbr.ind lr, $3  }
0x3a: {  	_ = 	snop  }
0x3b: {  	_ = 	snop  }
0x3c: {  	p2 =	seq.s32 s10, $0x1;
	s10 =	sld [smem:$0x3FB4]  }
0x3d: {  	_ =	shalt  }
0x3e: {  	_ =	shalt  }
0x3f: {  	_ =	shalt  }
0x40: {  	_ =	shalt  }
0x41: {  	_ =	shalt  }
0x42: {  	_ =	shalt  }
0x43: {  	_ =	shalt  }
0x44: {  	_ =	shalt  }
0x45: {  	_ =	shalt  }
0x46: {  	_ =	shalt  }
0x47: {  	_ =	shalt  }
0x48: {  	_ =	shalt  }
0x49: {  	_ =	shalt  }
0x4a: {  	_ =	shalt  }
0x4b: {  	_ =	shalt  }
0x4c: {  	_ =	shalt  }
0x4d: {  	_ =	shalt  }
0x4e: {  	_ =	shalt  }
0x4f: {  	_ =	shalt  }
0x50: {  	_ =	shalt  }
0x51: {  	_ =	shalt  }
0x52: {  	_ =	shalt  }
0x53: {  	_ =	shalt  }
0x54: {  	_ =	shalt  }
0x55: {  	_ =	shalt  }
0x56: {  	_ =	shalt  }
0x57: {  	_ =	shalt  }
0x58: {  	_ =	shalt  }
0x59: {  	_ =	shalt  }
0x5a: {  	_ =	shalt  }
0x5b: {  	_ =	shalt  }
0x5c: {  	_ =	shalt  }
0x5d: {  	_ =	shalt  }
0x5e: {  	_ =	shalt  }
0x5f: {  	_ =	shalt  }
0x60: {  	_ =	shalt  }
0x61: {  	_ =	shalt  }
0x62: {  	_ =	shalt  }
0x63: {  	_ =	shalt  }
0x64: {  	_ =	shalt  }
0x65: {  	_ =	shalt  }
0x66: {  	_ =	shalt  }
0x67: {  	_ =	shalt  }
0x68: {  	_ =	shalt  }
0x69: {  	_ =	shalt  }
0x6a: {  	_ =	shalt  }
0x6b: {  	_ =	shalt  }
0x6c: {  	_ =	shalt  }
0x6d: {  	_ =	shalt  }
0x6e: {  	_ =	shalt  }
0x6f: {  	_ =	shalt  }
0x70: {  	_ =	shalt  }
0x71: {  	_ =	shalt  }
0x72: {  	_ =	shalt  }
0x73: {  	_ =	shalt  }
0x74: {  	_ =	shalt  }
0x75: {  	_ =	shalt  }
0x76: {  	_ =	shalt  }
0x77: {  	_ =	shalt  }
0x78: {  	_ =	shalt  }
0x79: {  	_ =	shalt  }
0x7a: {  	_ =	shalt  }
0x7b: {  	_ =	shalt  }
0x7c: {  	_ =	shalt  }
0x7d: {  	_ =	shalt  }
0x7e: {  	_ =	shalt  }
0x7f: {  	_ =	shalt  }
0x80: {  	_ =	shalt  }
0x81: {  	_ =	shalt  }
0x82: {  	_ =	shalt  }
0x83: {  	_ =	shalt  }
0x84: {  	_ =	shalt  }
0x85: {  	_ =	shalt  }
0x86: {  	_ =	shalt  }
0x87: {  	_ =	shalt  }
.Lfunc_end0:
.L_simem_size_0:
called_computation.2_lowered:
.L_overlay_start_0:
0x88: {  	s2 =	sld [smem:$0x3FD9]  }
0x89: {  	s3 =	sld [smem:$0x3FFE];
	_ =	sdelay $0x1  }
0x8a: {  	s1 =	srdreg.scid  }
0x8b: {  	s0 =	sand.u32 $0x1, s1  }
0x8c: {  	s17 =	sshll.u32 s0, $0xA;
	s2 =	sadd.s32 s3, s2  }
0x8d: {  	s2 =	sadd.s32 s2, s17  }
0x8e: {  	[smem:$0x3FC0] =	sst s2  }
0x8f: {  	_ = 	snop  }
0x90: {  	s2 =	sld [smem:$0x3FD0];
	(tm) =	ssettm $0x1  }
0x91: {  	s18 =	sld [smem:$0x3FFB];
	_ =	sdelay $0x3  }
0x92: {  	_ =	strace s18  }
0x93: {  	s3 =	sld [smem:$0x3FFC];
	_ =	sdelay $0x3  }
0x94: {  	_ =	strace s3  }
0x95: {  	s3 =	sld [smem:$0x3FFD];
	_ =	sdelay $0x3  }
0x96: {  	_ =	strace s3  }
0x97: {  	_ =	strace $0x8FFFFFFF  }
0x98: {  	s19 =	sld [smem:$0x3FDB];
	_ =	sdelay $0x1  }
0x99: {  	s4 =	simm.s32 $_scs_section_size  }
0x9a: {  	s5 =	simm.s32 $_size__tile_overlayer_lowered;
	s6 =	simm.s32 $_tile_overlayer_lowered  }
0x9b: {  	s22 =	simm.s32 $0x1BFF;
	s21 =	sshll.u32 s6, $0x1;
	s3 =	sadd.s32 s4, s19  }
0x9c: {  	s7 =	simm.s32 $0x0;
	s20 =	sshll.u32 s5, $0x1;
	s5 =	sadd.s32 s21, s3  }
0x9d: {  	[timem:s7], [sflag:s22] =	dma.local [hbm:s5], s20  }
0x9e: {  	_ =	swait.ge [sflag:s22], s20  }
0x9f: {  	s4 =	ssub.s32 $0x0, s20;
	[sflag:s22] =	ssyncset.done $0x0  }
0xa0: {  	[sflag:s22] =	ssyncadd.s32 s4;
	_ =	sdelay $0x1  }
0xa1: {  	s23 =	simm.s32 $0x1B8B  }
0xa2: {  	_ =	swait.ge [sflag:s23], $0x1  }
0xa3: {  	[sflag:s23] =	ssyncset.done $0x0  }
0xa4: {  	s25 =	simm.s32 $0x1B8E;
	s24 =	sld [smem:$0x3FFE];
	[sflag:s23] =	ssyncadd.s32 $0xFFFFFFFF  }
0xa5: {  	s26 =	simm.s32 $execute0_lowered;
	[smem:$0x3FD2] =	sst s25  }
0xa6: {  	s5 =	sshll.u32 s26, $0x1;
	_ =	strace $0x8000004C;
	[dreg:$0x1] =	wrdreg $0xFFFFFFFF  }
0xa7: {  	s28 =	simm.s32 $_size_execute0_lowered;
	s3 =	sadd.s32 s3, s5;
	[dreg:$0x0] =	wrdreg $0x0  }
0xa8: {  	s5 =	sshll.u32 s28, $0x1;
	[dreg:$0x2] =	wrdreg s3  }
0xa9: {  	[dreg:$0x3] =	wrdreg s5  }
0xaa: {  	[dreg:$0x4] =	wrdreg $0xC0  }
0xab: {  	_ =	task [dreg:s7], $0x5FFFF  }
0xac: {  	[dreg:$0x1] =	wrdreg $0xFFFFFFFF  }
0xad: {  	[dreg:$0x0] =	wrdreg $0x60  }
0xae: {  	[dreg:$0x2] =	wrdreg s24  }
0xaf: {  	[dreg:$0x3] =	wrdreg s2  }
0xb0: {  	[dreg:$0x4] =	wrdreg $0xB1000  }
0xb1: {  	[dreg:$0x5] =	wrdreg $0x151000  }
0xb2: {  	[dreg:$0x6] =	wrdreg $0x9  }
0xb3: {  	_ =	task.clear_ibuf [dreg:s7], $0x7FFFF;
	_ =	strace $0x9000004C  }
0xb4: {  	s29 =	simm.s32 $0x9;
	_ =	strace $0x8000004E  }
0xb5: {  	_ =	swait.ge [sflag:s29], $0x1  }
0xb6: {  	[sflag:s29] =	ssyncadd.s32 $0xFFFFFFFF  }
0xb7: {  	_ =	strace $0x9000004E  }
0xb8: {  	_ =	sfence  }
0xb9: {  	s30 =	sld [smem:$0x0];
	_ =	sdelay $0x2  }
0xba: {  	s31 =	sshll.u32 s1, $0xD;
	s1 =	sshrl.u32 s1, $0x2  }
0xbb: {  	s3 =	sand.u32 $0x4000, s31;
	s1 =	sadd.s32 s1, s30  }
0xbc: {  	s0 =	sor.u32 s3, s0;
	s1 =	sshll.u32 s1, $0x11  }
0xbd: {  	s0 =	sor.u32 s1, s0  }
0xbe: {  	s0 =	sadd.s32 $0x8F2B, s0  }
0xbf: {  	[sflag:s0] =	ssyncadd.remote.s32 $0x1  }
0xc0: {  	_ =	sfence.sel $0xFFFF  }
0xc1: {  	[dreg:$0x0] =	wrdreg $0xFFFFFFFF;
	(pc) =	sbr.abs _section_cstart, $3  }
0xc2: {  	[dreg:$0x1] =	wrdreg $0xFFFFFFFF  }
0xc3: {  	_ =	task.clear_ibuf [dreg:s7], $0x2FFFF;
	_ =	strace $0x9FFFFFFF  }
0xc4: {  	(tm) =	ssettm $0x7FFFFFFF  }
0xc5: {  	_ =	shalt  }
tec
execute0_lowered:
.L_overlay_start_1:
0x0: {  	(tag) =	ssettag $0x1  }
0x1: {  	s6 =	rddreg [dreg:$0x0]  }
0x2: {  	s10 =	rddreg [dreg:$0x1]  }
0x3: {  	s0 =	stileid.u32;
	s2 =	rddreg [dreg:$0x2]  }
0x4: {  	s1 =	srdreg.scid;
	s3 =	rddreg [dreg:$0x3];
	s4 =	simm.s32 $0x0  }
0x5: {  	s18 =	simm.s32 $0x80;
	s19 =	simm.s32 $0x5100;
	s21 =	simm.s32 $0x7100  }
0x6: {  	s22 =	simm.s32 $0x9100;
	s23 =	simm.s32 $0x4;
	s28 =	simm.s32 $0x5080  }
0x7: {  	s29 =	simm.s32 $0x0;
	s5 =	sand.u32 $0x1, s1;
	s24 =	sshll.u32 s0, $0x1  }
0x8: {  	s9 =	smul.u32 $0xA000, s0;
	[smem:$0x7FF] =	sst s4;
	p0 =	seq.s32 s0, $0xF  }
0x9: {  	s7 =	sor.u32 s5, s24;
	s12 =	smul.u32 $0xA0000, s5;
	_ =	strace $0x8000004D  }
0xa: {  	s26 =	ssub.s32 $0x2, s5;
	s5 =	sadd.s32 $0x29400, s6;
	s24 =	simm.s32 $0x5000  }
0xb: {  	s8 =	smul.u32 $0xA20, s7;
	s11 =	sshrl.u32 s9, $0x3;
	s14 =	sshrl.u32 s26, $0x1  }
0xc: {  	s30 =	smul.u32 $0x5100, s7;
	s16 =	sadd.s32 s9, s2;
	s7 =	sshll.u32 s0, $0x6  }
0xd: {  	s17 =	sadd.s32 s9, s3;
	s11 =	sadd.s32 s11, s6;
	s25 =	sadd.s32 s9, s12  }
0xe: {  	s12 =	ssub.s32 s26, s14;
	s14 =	sshrl.u32 s17, $0x3;
	s17 =	simm.s32 $0x3  }
0xf: {  	s26 =	simm.s32 $0x4F80;
	s13 =	sadd.s32 s8, s6;
	s8 =	sshrl.u32 s25, $0x3  }
0x10: {  	s31 =	sadd.s32 $0xFFF68200, s30;
	s25 =	simm.s32 $0x4E80;
	s15 =	sadd.s32 s8, s6  }
0x11: {  	s6 =	sadd.s32 $0x15400, s11;
	s8 =	sor.u32 $0x1C02, s7;
	s11 =	sshrl.u32 s31, $0x3  }
0x12: {  	s9 =	sadd.s32 $0x1A00, s13;
	s13 =	sadd.s32 s10, s11;
	s10 =	sadd.s32 $0x2A800, s15  }
0x13: {  	s11 =	smax.u32 s12, $0x1;
	s12 =	sshrl.u32 s16, $0x3;
	s15 =	simm.s32 $0x1  }
0x14: {  	s16 =	simm.s32 $0x2;
	s9 =	smov.u32 @p0 s13;
	s13 =	sor.u32 $0x1C03, s7  }
.LBB2_1:
0x15: {  	[spmem:s12], [sflag:s8] =	dma.local [hbm:s6], $0x1400  }
0x16: {  	[spmem:s14], [sflag:s13] =	dma.local [hbm:s5], $0x1400  }
0x17: {  	[tilespmem:s4], [sflag:$0x1] =	stream.linear.gather [hbm4b:s9+s4], $0x5100, $0x38;
	[tilespmem:$0x1F100] =	vst v63  }
0x18: {  	_ =	swait.ge [sflag:s15], $0x5100  }
0x19: {  	[sflag:s15] =	ssyncset.done $0x0  }
0x1a: {  	[sflag:s15] =	ssyncadd.s32 $0xFFFFAF00  }
0x1b: {  	_ =	swait.ge [sflag:s16], $0x1400  }
0x1c: {  	[sflag:s16] =	ssyncset.done $0x0  }
0x1d: {  	[sflag:s16] =	ssyncadd.s32 $0xFFFFEC00  }
0x1e: {  	_ =	swait.ge [sflag:s17], $0x1400  }
0x1f: {  	[sflag:s17] =	ssyncset.done $0x0  }
0x20: {  	[sflag:s17] =	ssyncadd.s32 $0xFFFFEC00  }
0x21: {  	[bflag:$0x0] =	sbarrier.arrive $0xFFFF  }
0x22: {  	[tilespmem:s19], [sflag:$0x1] =	stream.indirect.gather [spmem:s2], $0x40, s4, s18, $0xb8;
	[tilespmem:$0x1F100] =	vst v63  }
0x23: {  	s0 =	simm.s32 $0x100  }
0x24: {  	[tilespmem:s21], [sflag:$0x2] =	stream.indirect.gather [spmem:s2], $0x40, s0, s18, $0xb8;
	[tilespmem:$0x1F100] =	vst v63  }
0x25: {  	s30 =	simm.s32 $0x200  }
0x26: {  	[tilespmem:s22], [sflag:$0x3] =	stream.indirect.gather [spmem:s2], $0x40, s30, s18, $0xb8;
	[tilespmem:$0x1F100] =	vst v63  }
0x27: {  	_ =	swait.ge [sflag:s15], $0x2000  }
0x28: {  	[sflag:s15] =	ssyncset.done $0x0  }
0x29: {  	s30 =	simm.s32 $0x80;
	[sflag:s15] =	ssyncadd.s32 $0xFFFFE000  }
0x2a: {  	[spmem:s3] =	stream.indirect.scatter.add.f32 [tilespmem:s19], [sflag:$0x4], $0x40, s30, s18, $0xb8;
	[tilespmem:$0x1F100] =	vst v63  }
0x2b: {  	_ =	swait.ge [sflag:s23], $0x2000  }
0x2c: {  	[sflag:s23] =	ssyncset.done $0x0  }
0x2d: {  	s30 =	simm.s32 $0x300;
	[sflag:s23] =	ssyncadd.s32 $0xFFFFE000  }
0x2e: {  	[tilespmem:s19], [sflag:$0x1] =	stream.indirect.gather [spmem:s2], $0x40, s30, s18, $0xb8;
	[tilespmem:$0x1F100] =	vst v63  }
0x2f: {  	_ =	swait.ge [sflag:s16], $0x2000  }
0x30: {  	[sflag:s16] =	ssyncset.done $0x0  }
0x31: {  	s30 =	simm.s32 $0x180;
	[sflag:s16] =	ssyncadd.s32 $0xFFFFE000  }
0x32: {  	[spmem:s3] =	stream.indirect.scatter.add.f32 [tilespmem:s21], [sflag:$0x4], $0x40, s30, s18, $0xb8;
	[tilespmem:$0x1F100] =	vst v63  }
0x33: {  	_ =	swait.ge [sflag:s23], $0x2000  }
0x34: {  	[sflag:s23] =	ssyncset.done $0x0  }
0x35: {  	s30 =	simm.s32 $0x400;
	[sflag:s23] =	ssyncadd.s32 $0xFFFFE000  }
0x36: {  	[tilespmem:s21], [sflag:$0x2] =	stream.indirect.gather [spmem:s2], $0x40, s30, s18, $0xb8;
	[tilespmem:$0x1F100] =	vst v63  }
0x37: {  	_ =	swait.ge [sflag:s17], $0x2000  }
0x38: {  	[sflag:s17] =	ssyncset.done $0x0  }
0x39: {  	s30 =	simm.s32 $0x280;
	[sflag:s17] =	ssyncadd.s32 $0xFFFFE000  }
0x3a: {  	[spmem:s3] =	stream.indirect.scatter.add.f32 [tilespmem:s22], [sflag:$0x4], $0x40, s30, s18, $0xb8;
	[tilespmem:$0x1F100] =	vst v63  }
0x3b: {  	_ =	swait.ge [sflag:s23], $0x2000  }
0x3c: {  	s31 =	simm.s32 $0x1800;
	s30 =	simm.s32 $0x300;
	[sflag:s23] =	ssyncset.done $0x0  }
.LBB2_2:
0x3d: {  	s1 =	sadd.s32 $0x200, s30  }
0x3e: {  	[sflag:s23] =	ssyncadd.s32 $0xFFFFE000;
	s0 =	smov.u32 s31;
	s20 =	sadd.s32 $0xC00, s31  }
0x3f: {  	[tilespmem:s22], [sflag:$0x3] =	stream.indirect.gather [spmem:s2], $0x40, s1, s18, $0xb8;
	[tilespmem:$0x1F100] =	vst v63  }
0x40: {  	p0 =	sne.s32 s31, $0x12C00;
	_ =	swait.ge [sflag:s15], $0x2000  }
0x41: {  	[sflag:s15] =	ssyncset.done $0x0  }
0x42: {  	s1 =	sadd.s32 $0x80, s30;
	[sflag:s15] =	ssyncadd.s32 $0xFFFFE000  }
0x43: {  	[spmem:s3] =	stream.indirect.scatter.add.f32 [tilespmem:s19], [sflag:$0x4], $0x40, s1, s18, $0xb8;
	[tilespmem:$0x1F100] =	vst v63  }
0x44: {  	_ =	swait.ge [sflag:s23], $0x2000  }
0x45: {  	[sflag:s23] =	ssyncset.done $0x0  }
0x46: {  	s1 =	sadd.s32 $0x300, s30;
	[sflag:s23] =	ssyncadd.s32 $0xFFFFE000  }
0x47: {  	[tilespmem:s19], [sflag:$0x1] =	stream.indirect.gather [spmem:s2], $0x40, s1, s18, $0xb8;
	[tilespmem:$0x1F100] =	vst v63  }
0x48: {  	_ =	swait.ge [sflag:s16], $0x2000  }
0x49: {  	[sflag:s16] =	ssyncset.done $0x0  }
0x4a: {  	s1 =	sadd.s32 $0x180, s30;
	[sflag:s16] =	ssyncadd.s32 $0xFFFFE000  }
0x4b: {  	[spmem:s3] =	stream.indirect.scatter.add.f32 [tilespmem:s21], [sflag:$0x4], $0x40, s1, s18, $0xb8;
	[tilespmem:$0x1F100] =	vst v63  }
0x4c: {  	_ =	swait.ge [sflag:s23], $0x2000  }
0x4d: {  	[sflag:s23] =	ssyncset.done $0x0  }
0x4e: {  	s1 =	sadd.s32 $0x400, s30;
	[sflag:s23] =	ssyncadd.s32 $0xFFFFE000  }
0x4f: {  	[tilespmem:s21], [sflag:$0x2] =	stream.indirect.gather [spmem:s2], $0x40, s1, s18, $0xb8;
	[tilespmem:$0x1F100] =	vst v63  }
0x50: {  	_ =	swait.ge [sflag:s17], $0x2000  }
.Ltmp0:
0x51: {  	[sflag:s17] =	ssyncset.done $0x0;
	(pc) =	sbr.rel @p0 .LBB2_2-.Ltmp0, $4  }
0x52: {  	s1 =	sadd.s32 $0x280, s30;
	[sflag:s17] =	ssyncadd.s32 $0xFFFFE000  }
0x53: {  	[spmem:s3] =	stream.indirect.scatter.add.f32 [tilespmem:s22], [sflag:$0x4], $0x40, s1, s18, $0xb8;
	[tilespmem:$0x1F100] =	vst v63  }
0x54: {  	_ =	swait.ge [sflag:s23], $0x2000  }
0x55: {  	s31 =	smov.u32 s20;
	s30 =	sshra.s32 s0, $0x2;
	[sflag:s23] =	ssyncset.done $0x0  }
0x56: {  	s0 =	sadd.s32 $0x200, s30;
	[sflag:s23] =	ssyncadd.s32 $0xFFFFE000  }
0x57: {  	[tilespmem:s22], [sflag:$0x3] =	stream.indirect.gather [spmem:s2], $0x40, s0, s18, $0xb8;
	[tilespmem:$0x1F100] =	vst v63  }
0x58: {  	_ =	swait.ge [sflag:s15], $0x2000  }
0x59: {  	[sflag:s15] =	ssyncset.done $0x0  }
0x5a: {  	s20 =	sadd.s32 $0x80, s30;
	[sflag:s15] =	ssyncadd.s32 $0xFFFFE000  }
0x5b: {  	[spmem:s3] =	stream.indirect.scatter.add.f32 [tilespmem:s19], [sflag:$0x4], $0x40, s20, s18, $0xb8;
	[tilespmem:$0x1F100] =	vst v63  }
0x5c: {  	_ =	swait.ge [sflag:s23], $0x2000  }
0x5d: {  	[sflag:s23] =	ssyncset.done $0x0  }
0x5e: {  	s31 =	sadd.s32 $0x300, s30;
	[sflag:s23] =	ssyncadd.s32 $0xFFFFE000  }
0x5f: {  	[tilespmem:s19], [sflag:$0x1] =	stream.indirect.gather [spmem:s2], $0x40, s31, s18, $0xb8;
	[tilespmem:$0x1F100] =	vst v63  }
0x60: {  	_ =	swait.ge [sflag:s16], $0x2000  }
0x61: {  	[sflag:s16] =	ssyncset.done $0x0  }
0x62: {  	s1 =	sadd.s32 $0x180, s30;
	[sflag:s16] =	ssyncadd.s32 $0xFFFFE000  }
0x63: {  	[spmem:s3] =	stream.indirect.scatter.add.f32 [tilespmem:s21], [sflag:$0x4], $0x40, s1, s18, $0xb8;
	[tilespmem:$0x1F100] =	vst v63  }
0x64: {  	_ =	swait.ge [sflag:s23], $0x2000  }
0x65: {  	[sflag:s23] =	ssyncset.done $0x0  }
0x66: {  	s20 =	sadd.s32 $0x400, s30;
	[sflag:s23] =	ssyncadd.s32 $0xFFFFE000  }
0x67: {  	[tilespmem:s21], [sflag:$0x2] =	stream.indirect.gather [spmem:s2], $0x40, s20, s18, $0xb8;
	[tilespmem:$0x1F100] =	vst v63  }
0x68: {  	_ =	swait.ge [sflag:s17], $0x2000  }
0x69: {  	[sflag:s17] =	ssyncset.done $0x0  }
0x6a: {  	s30 =	sadd.s32 $0x280, s30;
	[sflag:s17] =	ssyncadd.s32 $0xFFFFE000  }
0x6b: {  	[spmem:s3] =	stream.indirect.scatter.add.f32 [tilespmem:s22], [sflag:$0x4], $0x40, s30, s18, $0xb8;
	[tilespmem:$0x1F100] =	vst v63  }
0x6c: {  	_ =	swait.ge [sflag:s23], $0x2000  }
0x6d: {  	[sflag:s23] =	ssyncset.done $0x0  }
0x6e: {  	[sflag:s23] =	ssyncadd.s32 $0xFFFFE000  }
0x6f: {  	[tilespmem:s22], [sflag:$0x3] =	stream.indirect.gather [spmem:s2], $0x40, s24, s18, $0xb8;
	[tilespmem:$0x1F100] =	vst v63  }
0x70: {  	_ =	swait.ge [sflag:s15], $0x2000  }
0x71: {  	[sflag:s15] =	ssyncset.done $0x0  }
0x72: {  	[sflag:s15] =	ssyncadd.s32 $0xFFFFE000  }
0x73: {  	[spmem:s3] =	stream.indirect.scatter.add.f32 [tilespmem:s19], [sflag:$0x4], $0x40, s25, s18, $0xb8;
	[tilespmem:$0x1F100] =	vst v63  }
0x74: {  	_ =	swait.ge [sflag:s23], $0x2000  }
0x75: {  	[sflag:s23] =	ssyncset.done $0x0  }
0x76: {  	[sflag:s23] =	ssyncadd.s32 $0xFFFFE000  }
0x77: {  	_ =	swait.ge [sflag:s16], $0x2000  }
0x78: {  	[sflag:s16] =	ssyncset.done $0x0  }
0x79: {  	[sflag:s16] =	ssyncadd.s32 $0xFFFFE000  }
0x7a: {  	[spmem:s3] =	stream.indirect.scatter.add.f32 [tilespmem:s21], [sflag:$0x4], $0x40, s26, s18, $0xb8;
	[tilespmem:$0x1F100] =	vst v63  }
0x7b: {  	_ =	swait.ge [sflag:s23], $0x2000  }
0x7c: {  	[sflag:s23] =	ssyncset.done $0x0  }
0x7d: {  	[sflag:s23] =	ssyncadd.s32 $0xFFFFE000  }
0x7e: {  	_ =	swait.ge [sflag:s17], $0x2000  }
0x7f: {  	[sflag:s17] =	ssyncset.done $0x0  }
0x80: {  	[sflag:s17] =	ssyncadd.s32 $0xFFFFE000  }
0x81: {  	[spmem:s3] =	stream.indirect.scatter.add.f32 [tilespmem:s22], [sflag:$0x4], $0x40, s28, s18, $0xb8;
	[tilespmem:$0x1F100] =	vst v63  }
0x82: {  	_ =	swait.ge [sflag:s23], $0x2000  }
0x83: {  	s29 =	sadd.s32 $0x1, s29;
	[sflag:s23] =	ssyncset.done $0x0  }
0x84: {  	p0 =	sne.s32 s29, s11;
	[sflag:s23] =	ssyncadd.s32 $0xFFFFE000  }
.Ltmp1:
0x85: {  	s31 =	sor.u32 $0x1C04, s7;
	[bflag:$0x0] =	sbarrier.arrive $0xFFFF;
	(pc) =	sbr.rel @p0 .LBB2_1-.Ltmp1, $4  }
0x86: {  	[hbm:s10], [sflag:s31] =	dma.local [spmem:s14], $0x1400  }
0x87: {  	_ =	swait.ge [sflag:s23], $0x1400  }
0x88: {  	[sflag:s23] =	ssyncset.done $0x0  }
0x89: {  	[sflag:s23] =	ssyncadd.s32 $0xFFFFEC00  }
0x8a: {  	_ =	sfence.sel $0x180000  }
0x8b: {  	[bflag:$0x0] =	sbarrier.arrive $0xFFFF  }
0x8c: {  	_ =	strace $0x9000004D  }
0x8d: {  	s0 =	stileid.u32;
	[bflag:$0x2] =	sbarrier.arrive $0xFFFF  }
0x8e: {  	p0 =	sne.s32 s0, $0x0;
	s0 =	rddreg [dreg:$0x4]  }
0x8f: {  	s0 =	sadd.s32 @!p0 $0x100000, s0  }
0x90: {  	[sflag:s0] =	ssyncadd.tile.s32 @!p0 $0x1;
	_ =	shalt  }
.Lfunc_end2:
_tile_overlayer_lowered:
.L_overlay_start_2:
0x91: {  	(tag) =	ssettag $0x2  }
0x92: {  	s0 =	rddreg [dreg:$0x0];
	s2 =	stileid.u32  }
0x93: {  	s1 =	rddreg [dreg:$0x1];
	p0 =	sne.s32 s2, $0x0  }
0x94: {  	s3 =	rddreg [dreg:$0x2];
	[bflag:$0x3] =	sbarrier.arrive $0xFFFF;
	s2 =	simm.s32 @!p0 $0x1C04  }
0x95: {  	[timem:s3], [sflag:s2] =	dma.local @!p0 [hbm:s0], s1  }
0x96: {  	s0 =	simm.s32 @!p0 $0x4  }
0x97: {  	_ =	swait.ge @!p0 [sflag:s0], s1  }
0x98: {  	s1 =	ssub.s32 @!p0 $0x0, s1;
	[sflag:s0] =	ssyncset.done @!p0 $0x0  }
0x99: {  	[sflag:s0] =	ssyncadd.s32 @!p0 s1  }
0x9a: {  	[bflag:$0x3] =	sbarrier.arrive $0xFFFF  }
0x9b: {  	_ =	shalt  }

// kernel: kernel.8.cloned.1.call-start
scs
__scs_entry_jumppad:
0x0: {  	(pc) =	sbr.rel $0x88, $3  }
0x1: {  	(tag) =	ssettag $0x0;
	lr =	simm.s32 $0x1  }
0x2: {  	[smem:$0x3F99] =	sst lr;
	_ =	strace $0xD0000000  }
0x3: {  	_ = 	snop  }
0x4: {  	_ = 	snop  }
0x5: {  	_ = 	snop  }
0x6: {  	_ = 	snop  }
0x7: {  	_ = 	snop  }
__scs_overlays_trampoline_lowered:
0x8: {  	[smem:$0x3FA8] =	sst s0  }
0x9: {  	[smem:$0x3FA9] =	sst s1  }
0xa: {  	[smem:$0x3FAA] =	sst s2  }
0xb: {  	[smem:$0x3FAB] =	sst s3  }
0xc: {  	[smem:$0x3FAC] =	sst s4  }
0xd: {  	[smem:$0x3FAD] =	sst s5  }
0xe: {  	[smem:$0x3FAE] =	sst s6  }
0xf: {  	[smem:$0x3FAF] =	sst s7  }
0x10: {  	[smem:$0x3FB0] =	sst s8  }
0x11: {  	[smem:$0x3FB1] =	sst s9;
	s0 =	simm.s32 @!p0 $0x0  }
0x12: {  	s1 =	sld [smem:$0x3F97];
	s0 =	simm.s32 @p0 $0x1  }
0x13: {  	[smem:$0x3FB2] =	sst s0;
	s0 =	simm.s32 @!p1 $0x0  }
0x14: {  	s2 =	sld [smem:$0x3F96];
	s0 =	simm.s32 @p1 $0x1  }
0x15: {  	[smem:$0x3FB3] =	sst s0;
	s0 =	simm.s32 @!p2 $0x0  }
0x16: {  	s3 =	sld [smem:$0x3FDB];
	s0 =	simm.s32 @p2 $0x1  }
0x17: {  	s4 =	simm.s32 $0x1BF5;
	[smem:$0x3FB5] =	sst s0  }
0x18: {  	s0 =	sld [smem:$0x3F98];
	_ =	swait.ge [sflag:s4], $0x0  }
0x19: {  	s7 =	sld [smem:$0x3F99]  }
0x1a: {  	s8 =	sadd.s32 $0xFFFFE003, lr  }
0x1b: {  	s9 =	sadd.s32 $0xFFFFFEF7, lr;
	s5 =	simm.s32 $0xFFFFFFFF;
	p2 =	slt.u32 s8, $0xFFFFF086  }
0x1c: {  	p1 =	slt.u32 s9, $0xF7A;
	s5 =	simm.s32 @!p2 $0x0  }
0x1d: {  	s5 =	simm.s32 @p1 $0x1;
	p0 =	seq.s32 s7, s2  }
0x1e: {  	s7 =	smul.u32 @!p0 $0xF7A, s2;
	p2 =	seq.s32 @!p0 s5, $0x0  }
0x1f: {  	s9 =	smul.u32 $0xF7A, s1;
	s8 =	simm.s32 @!p0 $0x1BF5;
	p2 =	por !p2, p0  }
0x20: {  	[sflag:s8] =	ssyncset.s32 @!p0 $0xFFFFF086;
	s6 =	sadd.s32 @!p0 s3, s7;
	s7 =	simm.s32 @!p0 $0x108  }
0x21: {  	s3 =	sadd.s32 s3, s9;
	s6 =	sadd.s32 @!p0 $0x88, s6;
	s7 =	simm.s32 @p2 $0x1082  }
0x22: {  	[simem:s7], [sflag:s8] =	dma.local @!p0 [hbm:s6], $0xF7A  }
0x23: {  	s9 =	sor.u32 $0xD0000000, s2;
	s6 =	simm.s32 $0x108;
	_ =	swait.ge @!p0 [sflag:s8], $0x0  }
0x24: {  	s3 =	sadd.s32 $0x88, s3;
	s6 =	simm.s32 @!p1 $0x1082;
	[sflag:s4] =	ssyncset.s32 $0xFFFFF086  }
0x25: {  	[simem:s6], [sflag:s4] =	dma.local [hbm:s3], $0xF7A  }
0x26: {  	[smem:$0x3F99] =	sst s1;
	(tag) =	ssettag s2;
	_ =	strace s9  }
0x27: {  	s1 =	sld [smem:$0x3FA9]  }
0x28: {  	s2 =	sld [smem:$0x3FAA]  }
0x29: {  	s4 =	sld [smem:$0x3FAC]  }
0x2a: {  	p0 =	seq.s32 s5, $0x0;
	s5 =	sld [smem:$0x3FAD]  }
0x2b: {  	s6 =	sld [smem:$0x3FAE]  }
0x2c: {  	s7 =	sld [smem:$0x3FAF]  }
0x2d: {  	s3 =	simm.s32 $0x108;
	s8 =	sld [smem:$0x3FB0]  }
0x2e: {  	s3 =	simm.s32 @!p0 $0x1082;
	s9 =	sld [smem:$0x3FB1]  }
0x2f: {  	lr =	sadd.s32 s0, s3;
	s0 =	sld [smem:$0x3FA8]  }
0x30: {  	s3 =	sld [smem:$0x3FAB]  }
0x31: {  	[smem:$0x3FB4] =	sst s10  }
0x32: {  	s10 =	sld [smem:$0x3FB2];
	_ =	sdelay $0x3  }
0x33: {  	p0 =	seq.s32 s10, $0x1;
	s10 =	sld [smem:$0x3FB4];
	_ =	sdelay $0x3  }
0x34: {  	[smem:$0x3FB4] =	sst s10  }
0x35: {  	s10 =	sld [smem:$0x3FB3];
	_ =	sdelay $0x3  }
0x36: {  	p1 =	seq.s32 s10, $0x1;
	s10 =	sld [smem:$0x3FB4];
	_ =	sdelay $0x3  }
0x37: {  	[smem:$0x3FB4] =	sst s10  }
0x38: {  	s10 =	sld [smem:$0x3FB5]  }
0x39: {  	_ = 	snop;
	(pc) =	sbr.ind lr, $3  }
0x3a: {  	_ = 	snop  }
0x3b: {  	_ = 	snop  }
0x3c: {  	p2 =	seq.s32 s10, $0x1;
	s10 =	sld [smem:$0x3FB4]  }
0x3d: {  	_ =	shalt  }
0x3e: {  	_ =	shalt  }
0x3f: {  	_ =	shalt  }
0x40: {  	_ =	shalt  }
0x41: {  	_ =	shalt  }
0x42: {  	_ =	shalt  }
0x43: {  	_ =	shalt  }
0x44: {  	_ =	shalt  }
0x45: {  	_ =	shalt  }
0x46: {  	_ =	shalt  }
0x47: {  	_ =	shalt  }
0x48: {  	_ =	shalt  }
0x49: {  	_ =	shalt  }
0x4a: {  	_ =	shalt  }
0x4b: {  	_ =	shalt  }
0x4c: {  	_ =	shalt  }
0x4d: {  	_ =	shalt  }
0x4e: {  	_ =	shalt  }
0x4f: {  	_ =	shalt  }
0x50: {  	_ =	shalt  }
0x51: {  	_ =	shalt  }
0x52: {  	_ =	shalt  }
0x53: {  	_ =	shalt  }
0x54: {  	_ =	shalt  }
0x55: {  	_ =	shalt  }
0x56: {  	_ =	shalt  }
0x57: {  	_ =	shalt  }
0x58: {  	_ =	shalt  }
0x59: {  	_ =	shalt  }
0x5a: {  	_ =	shalt  }
0x5b: {  	_ =	shalt  }
0x5c: {  	_ =	shalt  }
0x5d: {  	_ =	shalt  }
0x5e: {  	_ =	shalt  }
0x5f: {  	_ =	shalt  }
0x60: {  	_ =	shalt  }
0x61: {  	_ =	shalt  }
0x62: {  	_ =	shalt  }
0x63: {  	_ =	shalt  }
0x64: {  	_ =	shalt  }
0x65: {  	_ =	shalt  }
0x66: {  	_ =	shalt  }
0x67: {  	_ =	shalt  }
0x68: {  	_ =	shalt  }
0x69: {  	_ =	shalt  }
0x6a: {  	_ =	shalt  }
0x6b: {  	_ =	shalt  }
0x6c: {  	_ =	shalt  }
0x6d: {  	_ =	shalt  }
0x6e: {  	_ =	shalt  }
0x6f: {  	_ =	shalt  }
0x70: {  	_ =	shalt  }
0x71: {  	_ =	shalt  }
0x72: {  	_ =	shalt  }
0x73: {  	_ =	shalt  }
0x74: {  	_ =	shalt  }
0x75: {  	_ =	shalt  }
0x76: {  	_ =	shalt  }
0x77: {  	_ =	shalt  }
0x78: {  	_ =	shalt  }
0x79: {  	_ =	shalt  }
0x7a: {  	_ =	shalt  }
0x7b: {  	_ =	shalt  }
0x7c: {  	_ =	shalt  }
0x7d: {  	_ =	shalt  }
0x7e: {  	_ =	shalt  }
0x7f: {  	_ =	shalt  }
0x80: {  	_ =	shalt  }
0x81: {  	_ =	shalt  }
0x82: {  	_ =	shalt  }
0x83: {  	_ =	shalt  }
0x84: {  	_ =	shalt  }
0x85: {  	_ =	shalt  }
0x86: {  	_ =	shalt  }
0x87: {  	_ =	shalt  }
.Lfunc_end0:
.L_simem_size_0:
called_computation_lowered:
.L_overlay_start_0:
0x88: {  	s2 =	sld [smem:$0x3FD9]  }
0x89: {  	s3 =	sld [smem:$0x3FFE];
	_ =	sdelay $0x1  }
0x8a: {  	s1 =	srdreg.scid  }
0x8b: {  	s0 =	sand.u32 $0x1, s1  }
0x8c: {  	s17 =	sshll.u32 s0, $0xA;
	s2 =	sadd.s32 s3, s2  }
0x8d: {  	s2 =	sadd.s32 s2, s17  }
0x8e: {  	[smem:$0x3FC0] =	sst s2  }
0x8f: {  	_ = 	snop  }
0x90: {  	s2 =	sld [smem:$0x3FD0];
	(tm) =	ssettm $0x1  }
0x91: {  	s18 =	sld [smem:$0x3FFB];
	_ =	sdelay $0x3  }
0x92: {  	_ =	strace s18  }
0x93: {  	s3 =	sld [smem:$0x3FFC];
	_ =	sdelay $0x3  }
0x94: {  	_ =	strace s3  }
0x95: {  	s3 =	sld [smem:$0x3FFD];
	_ =	sdelay $0x3  }
0x96: {  	_ =	strace s3  }
0x97: {  	_ =	strace $0x8FFFFFFF  }
0x98: {  	s19 =	sld [smem:$0x3FDB];
	_ =	sdelay $0x1  }
0x99: {  	s4 =	simm.s32 $_scs_section_size  }
0x9a: {  	s5 =	simm.s32 $_size__tile_overlayer_lowered;
	s6 =	simm.s32 $_tile_overlayer_lowered  }
0x9b: {  	s22 =	simm.s32 $0x1BFF;
	s21 =	sshll.u32 s6, $0x1;
	s3 =	sadd.s32 s4, s19  }
0x9c: {  	s7 =	simm.s32 $0x0;
	s20 =	sshll.u32 s5, $0x1;
	s5 =	sadd.s32 s21, s3  }
0x9d: {  	[timem:s7], [sflag:s22] =	dma.local [hbm:s5], s20  }
0x9e: {  	_ =	swait.ge [sflag:s22], s20  }
0x9f: {  	s4 =	ssub.s32 $0x0, s20;
	[sflag:s22] =	ssyncset.done $0x0  }
0xa0: {  	[sflag:s22] =	ssyncadd.s32 s4;
	_ =	sdelay $0x1  }
0xa1: {  	s23 =	simm.s32 $0x1B8B  }
0xa2: {  	_ =	swait.ge [sflag:s23], $0x1  }
0xa3: {  	[sflag:s23] =	ssyncset.done $0x0  }
0xa4: {  	s25 =	simm.s32 $0x1B8E;
	s24 =	sld [smem:$0x3FFE];
	[sflag:s23] =	ssyncadd.s32 $0xFFFFFFFF  }
0xa5: {  	s26 =	simm.s32 $execute0_lowered;
	[smem:$0x3FD2] =	sst s25  }
0xa6: {  	s5 =	sshll.u32 s26, $0x1;
	_ =	strace $0x80000046;
	[dreg:$0x1] =	wrdreg $0xFFFFFFFF  }
0xa7: {  	s28 =	simm.s32 $_size_execute0_lowered;
	s3 =	sadd.s32 s3, s5;
	[dreg:$0x0] =	wrdreg $0x0  }
0xa8: {  	s5 =	sshll.u32 s28, $0x1;
	[dreg:$0x2] =	wrdreg s3  }
0xa9: {  	[dreg:$0x3] =	wrdreg s5  }
0xaa: {  	[dreg:$0x4] =	wrdreg $0xC0  }
0xab: {  	_ =	task [dreg:s7], $0x5FFFF  }
0xac: {  	[dreg:$0x1] =	wrdreg $0xFFFFFFFF  }
0xad: {  	[dreg:$0x0] =	wrdreg $0x60  }
0xae: {  	[dreg:$0x2] =	wrdreg s24  }
0xaf: {  	[dreg:$0x3] =	wrdreg s2  }
0xb0: {  	[dreg:$0x4] =	wrdreg $0x51800  }
0xb1: {  	[dreg:$0x5] =	wrdreg $0x9  }
0xb2: {  	_ =	task.clear_ibuf [dreg:s7], $0x6FFFF;
	_ =	strace $0x90000046  }
0xb3: {  	s29 =	simm.s32 $0x9;
	_ =	strace $0x80000048  }
0xb4: {  	_ =	swait.ge [sflag:s29], $0x1  }
0xb5: {  	[sflag:s29] =	ssyncadd.s32 $0xFFFFFFFF  }
0xb6: {  	_ =	strace $0x90000048  }
0xb7: {  	_ =	sfence  }
0xb8: {  	s30 =	sld [smem:$0x0];
	_ =	sdelay $0x2  }
0xb9: {  	s31 =	sshll.u32 s1, $0xD;
	s1 =	sshrl.u32 s1, $0x2  }
0xba: {  	s3 =	sand.u32 $0x4000, s31;
	s1 =	sadd.s32 s1, s30  }
0xbb: {  	s0 =	sor.u32 s3, s0;
	s1 =	sshll.u32 s1, $0x11  }
0xbc: {  	s0 =	sor.u32 s1, s0  }
0xbd: {  	s0 =	sadd.s32 $0x8F2B, s0  }
0xbe: {  	[sflag:s0] =	ssyncadd.remote.s32 $0x1  }
0xbf: {  	_ =	sfence.sel $0xFFFF  }
0xc0: {  	[dreg:$0x0] =	wrdreg $0xFFFFFFFF;
	(pc) =	sbr.abs _section_cstart, $3  }
0xc1: {  	[dreg:$0x1] =	wrdreg $0xFFFFFFFF  }
0xc2: {  	_ =	task.clear_ibuf [dreg:s7], $0x2FFFF;
	_ =	strace $0x9FFFFFFF  }
0xc3: {  	(tm) =	ssettm $0x7FFFFFFF  }
tec
execute0_lowered:
.L_overlay_start_1:
0x0: {  	(tag) =	ssettag $0x1  }
0x1: {  	s6 =	rddreg [dreg:$0x0]  }
0x2: {  	s1 =	srdreg.scid;
	s7 =	rddreg [dreg:$0x1]  }
0x3: {  	s0 =	stileid.u32;
	s2 =	rddreg [dreg:$0x2]  }
0x4: {  	s3 =	simm.s32 $0x0;
	s14 =	simm.s32 $0x0;
	s5 =	sand.u32 $0x1, s1  }
0x5: {  	s29 =	sshll.u32 s0, $0x1;
	s1 =	rddreg [dreg:$0x3];
	s9 =	smul.u32 $0x280, s0  }
0x6: {  	[smem:$0x7FF] =	sst s3;
	p0 =	seq.s32 s0, $0xF;
	s31 =	sshll.u32 s0, $0x6  }
0x7: {  	s8 =	sor.u32 s5, s29;
	s10 =	smul.u32 $0x2800, s5;
	_ =	strace $0x80000047  }
0x8: {  	s12 =	ssub.s32 $0x2, s5;
	s5 =	sadd.s32 $0x15600, s6;
	s4 =	smul.u32 $0xA20, s8  }
0x9: {  	s8 =	smul.u32 $0x5100, s8;
	s13 =	sshrl.u32 s12, $0x1;
	s30 =	sadd.s32 s9, s2  }
0xa: {  	s10 =	sadd.s32 s9, s10;
	s12 =	ssub.s32 s12, s13;
	s9 =	simm.s32 $0x1  }
0xb: {  	s13 =	simm.s32 $0x80;
	s11 =	sadd.s32 s4, s6;
	s8 =	sadd.s32 $0xFFF68200, s8  }
0xc: {  	s4 =	sadd.s32 $0x15400, s6;
	s10 =	sshrl.u32 s10, $0x3;
	s8 =	sshrl.u32 s8, $0x3  }
0xd: {  	s10 =	sadd.s32 s10, s6;
	s6 =	sadd.s32 $0x1A00, s11;
	s11 =	sadd.s32 s7, s8  }
0xe: {  	s7 =	sadd.s32 $0x15800, s10;
	s8 =	smax.u32 s12, $0x1;
	s10 =	simm.s32 $0x5100  }
0xf: {  	s12 =	sshrl.u32 s30, $0x3;
	s6 =	smov.u32 @p0 s11;
	s11 =	sor.u32 $0x1C01, s31  }
.LBB2_1:
0x10: {  	[tilespmem:s3], [sflag:$0x1] =	stream.linear.gather [hbm4b:s6+s3], $0x5100, $0x38;
	[tilespmem:$0x5400] =	vst v63  }
0x11: {  	_ =	swait.ge [sflag:s9], $0x5100  }
0x12: {  	[sflag:s9] =	ssyncset.done $0x0  }
0x13: {  	[sflag:s9] =	ssyncadd.s32 $0xFFFFAF00  }
0x14: {  	[tilespmem:s10], [sflag:$0x1] =	stream.linear.gather [hbm4b:s5+s3], $0x80, $0x38;
	[tilespmem:$0x5400] =	vst v63  }
0x15: {  	_ =	swait.ge [sflag:s9], $0x80  }
0x16: {  	[sflag:s9] =	ssyncset.done $0x0  }
0x17: {  	[sflag:s9] =	ssyncadd.s32 $0xFFFFFF80  }
0x18: {  	[spmem:s12], [sflag:s11] =	dma.local [hbm:s4], $0x50  }
0x19: {  	_ =	swait.ge [sflag:s9], $0x50  }
0x1a: {  	[sflag:s9] =	ssyncset.done $0x0  }
0x1b: {  	[sflag:s9] =	ssyncadd.s32 $0xFFFFFFB0  }
0x1c: {  	s15 =	simm.s32 $0x80;
	[bflag:$0x0] =	sbarrier.arrive $0xFFFF  }
0x1d: {  	[spmem:s2] =	stream.indirect.scatter.add.f32 [tilespmem:s10], [sflag:$0x1], $0x1, s15, s13, $0xb8;
	[tilespmem:$0x5400] =	vst v63  }
0x1e: {  	_ =	swait.ge [sflag:s9], $0x80  }
0x1f: {  	s15 =	simm.s32 $0x600;
	[sflag:s9] =	ssyncset.done $0x0  }
.LBB2_2:
0x20: {  	s16 =	sshra.s32 s15, $0x2;
	[sflag:s9] =	ssyncadd.s32 $0xFFFFFF80;
	p0 =	sne.s32 s15, $0x14200  }
0x21: {  	[spmem:s2] =	stream.indirect.scatter.add.f32 [tilespmem:s10], [sflag:$0x1], $0x1, s16, s13, $0xb8;
	[tilespmem:$0x5400] =	vst v63  }
.Ltmp0:
0x22: {  	_ = 	snop;
	(pc) =	sbr.rel @p0 .LBB2_2-.Ltmp0, $4  }
0x23: {  	_ = 	snop  }
0x24: {  	s15 =	sadd.s32 $0x400, s15  }
0x25: {  	_ =	swait.ge [sflag:s9], $0x80  }
0x26: {  	[sflag:s9] =	ssyncset.done $0x0  }
0x27: {  	s14 =	sadd.s32 $0x1, s14  }
0x28: {  	[sflag:s9] =	ssyncadd.s32 $0xFFFFFF80;
	p0 =	sne.s32 s14, s8  }
.Ltmp1:
0x29: {  	[bflag:$0x0] =	sbarrier.arrive $0xFFFF;
	(pc) =	sbr.rel @p0 .LBB2_1-.Ltmp1, $4  }
0x2a: {  	[hbm:s7], [sflag:s11] =	dma.local [spmem:s12], $0x50  }
0x2b: {  	_ =	swait.ge [sflag:s9], $0x50  }
0x2c: {  	[sflag:s9] =	ssyncset.done $0x0  }
0x2d: {  	[sflag:s9] =	ssyncadd.s32 $0xFFFFFFB0  }
0x2e: {  	_ =	sfence.sel $0x180000  }
0x2f: {  	[bflag:$0x0] =	sbarrier.arrive $0xFFFF  }
0x30: {  	p0 =	sne.s32 s0, $0x0;
	_ =	strace $0x90000047  }
0x31: {  	s0 =	sadd.s32 @!p0 $0x100000, s1;
	[bflag:$0x2] =	sbarrier.arrive $0xFFFF  }
0x32: {  	[sflag:s0] =	ssyncadd.tile.s32 @!p0 $0x1;
	_ =	shalt  }
.Lfunc_end2:
_tile_overlayer_lowered:
.L_overlay_start_2:
0x33: {  	(tag) =	ssettag $0x2  }
0x34: {  	s0 =	rddreg [dreg:$0x0];
	s2 =	stileid.u32  }
0x35: {  	s1 =	rddreg [dreg:$0x1];
	p0 =	sne.s32 s2, $0x0  }
0x36: {  	s3 =	rddreg [dreg:$0x2];
	[bflag:$0x3] =	sbarrier.arrive $0xFFFF;
	s2 =	simm.s32 @!p0 $0x1C01  }
0x37: {  	[timem:s3], [sflag:s2] =	dma.local @!p0 [hbm:s0], s1  }
0x38: {  	s0 =	simm.s32 @!p0 $0x1  }
0x39: {  	_ =	swait.ge @!p0 [sflag:s0], s1  }
0x3a: {  	s1 =	ssub.s32 @!p0 $0x0, s1;
	[sflag:s0] =	ssyncset.done @!p0 $0x0  }
0x3b: {  	[sflag:s0] =	ssyncadd.s32 @!p0 s1  }
0x3c: {  	[bflag:$0x3] =	sbarrier.arrive $0xFFFF  }
0x3d: {  	_ =	shalt  }

</sc_bundles>
